<compile_context>
chip_gen: v7x
topology: tpu7x:2x2x1
jax: 0.10.2.dev20260603
libtpu: 0.0.44.dev20260713+nightly
codegen_flags: <defaults>
</compile_context>

<pallas_src>
import functools
import jax
import jax.numpy as jnp
from jax import lax
from jax.experimental import pallas as pl
from jax.experimental.pallas import tpu as pltpu
from jax.experimental.pallas import tpu_sc as plsc

NC = 2
NS = 16
NW = NC * NS
K = 128
D = 128


def _make_segsum(n_pad, e_pad, n_chunks):
    rows_per_tile = n_pad // NS
    edges_per_tile = e_pad // NW
    mesh = plsc.VectorSubcoreMesh(core_axis_name="c", subcore_axis_name="s")

    def body(table, src_h, dst_h, out_h, idx_v, didx_v, rows_v, acc, sem):
        c = lax.axis_index("c")
        s = lax.axis_index("s")
        z16 = jnp.zeros((16,), jnp.float32)

        def zero_row(r, _):
            for j in range(D // 16):
                rows_v[r, pl.ds(j * 16, 16)] = z16
            return 0
        lax.fori_loop(0, K, zero_row, 0)

        base_r = s * rows_per_tile
        off = 0
        while off < rows_per_tile:
            step = min(K, rows_per_tile - off)
            pltpu.sync_copy(rows_v.at[pl.ds(0, step)],
                            acc.at[pl.ds(base_r + off, step)])
            off += step

        plsc.subcore_barrier()
        wid = c * NS + s
        ebase = wid * edges_per_tile

        def chunk(i, _):
            o = ebase + i * K
            pltpu.sync_copy(src_h.at[pl.ds(o, K)], idx_v)
            pltpu.sync_copy(dst_h.at[pl.ds(o, K)], didx_v)
            pltpu.async_copy(table.at[idx_v], rows_v, sem).wait()
            pltpu.sync_copy(rows_v, acc.at[didx_v], add=True)
            return 0
        lax.fori_loop(0, n_chunks, chunk, 0)
        plsc.subcore_barrier()

        obase = c * n_pad + base_r
        pltpu.sync_copy(acc.at[pl.ds(base_r, rows_per_tile)],
                        out_h.at[pl.ds(obase, rows_per_tile)])

    return pl.kernel(
        body,
        out_type=[jax.ShapeDtypeStruct((NC * n_pad, D), jnp.float32)],
        mesh=mesh,
        scratch_types=[
            pltpu.VMEM((K,), jnp.int32),
            pltpu.VMEM((K,), jnp.int32),
            pltpu.VMEM((K, D), jnp.float32),
            pltpu.VMEM_SHARED((n_pad, D), jnp.float32),
            pltpu.SemaphoreType.DMA,
        ])



_BLK = 2000
_HB = 8000


def _histogram(lo3, hi3, nh):
    nb = lo3.shape[0]
    hb = lo3.shape[1]

    def body(lo_r, hi_r, o_r):
        i = pl.program_id(0)
        lo = lo_r[0]
        hi = hi_r[0]
        loh = (lax.broadcasted_iota(jnp.int32, (hb, 128), 1) == lo
               ).astype(jnp.float32)
        hih = (lax.broadcasted_iota(jnp.int32, (hb, nh), 1) == hi
               ).astype(jnp.float32)
        acc = lax.dot_general(hih, loh, (((0,), (0,)), ((), ())),
                              preferred_element_type=jnp.float32)

        @pl.when(i == 0)
        def _():
            o_r[...] = acc

        @pl.when(i > 0)
        def _():
            o_r[...] += acc

    blk = pl.BlockSpec((1, hb, 1), lambda i: (i, 0, 0))
    return pl.pallas_call(
        body,
        grid=(nb,),
        in_specs=[blk, blk],
        out_specs=pl.BlockSpec((nh, 128), lambda i: (0, 0)),
        out_shape=jax.ShapeDtypeStruct((nh, 128), jnp.float32),
    )(lo3, hi3)


def _graphconv_dense(p0, p1, x, wr_t, wt_t, b):
    n = x.shape[0]

    def body(p0_r, p1_r, x_r, wr, wt, b_r, o_r):
        a = p0_r[...] + p1_r[...]
        o = (jnp.dot(a, wr[...], preferred_element_type=jnp.float32)
             + jnp.dot(x_r[...], wt[...], preferred_element_type=jnp.float32)
             + b_r[...])
        o_r[...] = jnp.maximum(o, 0.0)

    row = pl.BlockSpec((_BLK, D), lambda i: (i, 0))
    full = pl.BlockSpec((D, D), lambda i: (0, 0))
    return pl.pallas_call(
        body,
        grid=(n // _BLK,),
        in_specs=[row, row, row, full, full,
                  pl.BlockSpec((1, D), lambda i: (0, 0))],
        out_specs=row,
        out_shape=jax.ShapeDtypeStruct((n, D), jnp.float32),
    )(p0, p1, x, wr_t, wt_t, b)


def _gcn_pre(cnt, h, wg_t):
    n = h.shape[0]

    def body(c_r, h_r, wg, y_r, dis_r):
        dis = lax.rsqrt(c_r[...] + 1.0)
        y_r[...] = dis * jnp.dot(h_r[...], wg[...],
                                 preferred_element_type=jnp.float32)
        dis_r[...] = jnp.broadcast_to(dis, (_BLK, 16))

    row = pl.BlockSpec((_BLK, D), lambda i: (i, 0))
    row16 = pl.BlockSpec((_BLK, 16), lambda i: (i, 0))
    return pl.pallas_call(
        body,
        grid=(n // _BLK,),
        in_specs=[pl.BlockSpec((_BLK, 1), lambda i: (i, 0)), row,
                  pl.BlockSpec((D, D), lambda i: (0, 0))],
        out_specs=[row, row16],
        out_shape=[jax.ShapeDtypeStruct((n, D), jnp.float32),
                   jax.ShapeDtypeStruct((n, 16), jnp.float32)],
    )(cnt, h, wg_t)


def _final_dense(q0, q1, y, dis16, b_gcn, wl_t, b_lin):
    n = y.shape[0]
    c = wl_t.shape[1]

    def body(q0_r, q1_r, y_r, dis_r, bg, wl, bl, o_r):
        g = dis_r[...][:, 0:1] * (q0_r[...] + q1_r[...] + y_r[...]) + bg[...]
        o_r[...] = jnp.dot(g, wl[...],
                           preferred_element_type=jnp.float32) + bl[...]

    row = pl.BlockSpec((_BLK, D), lambda i: (i, 0))
    row16 = pl.BlockSpec((_BLK, 16), lambda i: (i, 0))
    return pl.pallas_call(
        body,
        grid=(n // _BLK,),
        in_specs=[row, row, row, row16,
                  pl.BlockSpec((1, D), lambda i: (0, 0)),
                  pl.BlockSpec((D, c), lambda i: (0, 0)),
                  pl.BlockSpec((1, c), lambda i: (0, 0))],
        out_specs=pl.BlockSpec((_BLK, c), lambda i: (i, 0)),
        out_shape=jax.ShapeDtypeStruct((n, c), jnp.float32),
    )(q0, q1, y, dis16, b_gcn, wl_t, b_lin)


def kernel(x, edge_index, W_rel1, b_rel1, W_root1, W_rel2, b_rel2, W_root2,
           W_gcn, b_gcn, W_lin, b_lin):
    n, d = x.shape
    e = edge_index.shape[1]

    n_pad = (NS * 8) * (-(-n // (NS * 8)))
    n_chunks = -(-e // (NW * K))
    e_pad = NW * K * n_chunks
    pad = e_pad - e

    src = edge_index[0]
    dst = edge_index[1]
    if pad:
        src = jnp.concatenate([src, jnp.zeros((pad,), jnp.int32)])
        spread = n + jnp.arange(pad, dtype=jnp.int32) % (n_pad - n)
        dst = jnp.concatenate([dst, spread])

    nb = -(-e // _HB)
    pad_h = nb * _HB - e
    dst_h = edge_index[1]
    if pad_h:
        dst_h = jnp.concatenate([dst_h, jnp.full((pad_h,), n, jnp.int32)])
    nh = 8 * (-(-(n + 1) // (8 * 128)))
    counts = _histogram((dst_h % 128).reshape(nb, _HB, 1),
                        (dst_h // 128).reshape(nb, _HB, 1), nh)
    cnt = counts.reshape(-1)[:n].reshape(n, 1)

    segsum = _make_segsum(n_pad, e_pad, n_chunks)

    part, = segsum(x, src, dst)
    h1 = _graphconv_dense(part[:n], part[n_pad:n_pad + n], x,
                          W_rel1.T, W_root1.T, b_rel1.reshape(1, -1))

    part2, = segsum(h1, src, dst)
    h2 = _graphconv_dense(part2[:n], part2[n_pad:n_pad + n], h1,
                          W_rel2.T, W_root2.T, b_rel2.reshape(1, -1))

    y, dis16 = _gcn_pre(cnt, h2, W_gcn.T)
    part3, = segsum(y, src, dst)
    return _final_dense(part3[:n], part3[n_pad:n_pad + n], y, dis16,
                        b_gcn.reshape(1, -1), W_lin.T, b_lin.reshape(1, -1))

# --- scband reference (transcript-rebuilt; emitter-appended) ---
"""Pipeline reference for scband-gnn1-56667798503738 (READ-ONLY COPY).

The authoritative reference and input builder live on the scoring server;
editing this copy changes nothing except your own understanding.
"""

import jax, jax.numpy as jnp
import numpy as np

N = 10000
E = 320000
D = 128
H = 128
C = 64


def setup_inputs(seed: int = 0) -> dict:
    key = jax.random.key(seed)
    ks = jax.random.split(key, 14)
    x = jax.random.normal(ks[0], (N, D), dtype=jnp.float32)
    edge_index = jax.random.randint(ks[1], (2, E), 0, N, dtype=jnp.int32)
    s = 1.0 / np.sqrt(D)
    sh = 1.0 / np.sqrt(H)
    W_rel1 = jax.random.normal(ks[2], (H, D), dtype=jnp.float32) * s
    b_rel1 = jnp.zeros((H,), dtype=jnp.float32)
    W_root1 = jax.random.normal(ks[3], (H, D), dtype=jnp.float32) * s
    W_rel2 = jax.random.normal(ks[4], (H, H), dtype=jnp.float32) * sh
    b_rel2 = jnp.zeros((H,), dtype=jnp.float32)
    W_root2 = jax.random.normal(ks[5], (H, H), dtype=jnp.float32) * sh
    W_gcn = jax.random.normal(ks[6], (H, H), dtype=jnp.float32) * sh
    b_gcn = jnp.zeros((H,), dtype=jnp.float32)
    W_lin = jax.random.normal(ks[7], (C, H), dtype=jnp.float32) * sh
    b_lin = jnp.zeros((C,), dtype=jnp.float32)
    return {
        'x': x, 'edge_index': edge_index,
        'W_rel1': W_rel1, 'b_rel1': b_rel1, 'W_root1': W_root1,
        'W_rel2': W_rel2, 'b_rel2': b_rel2, 'W_root2': W_root2,
        'W_gcn': W_gcn, 'b_gcn': b_gcn,
        'W_lin': W_lin, 'b_lin': b_lin,
    }


def _graph_conv(x, src, dst, W_rel, b_rel, W_root):
    # PyG GraphConv with aggr='add': out = lin_rel(sum_{j in N(i)} x_j) + lin_root(x_i)
    aggr = jax.ops.segment_sum(x[src], dst, num_segments=N)
    return aggr @ W_rel.T + b_rel + x @ W_root.T


def _gcn_conv(x, src, dst, W, b):
    # PyG GCNConv: add self-loops, symmetric normalization, linear first
    xw = x @ W.T
    loop = jnp.arange(N, dtype=src.dtype)
    s = jnp.concatenate([src, loop])
    d = jnp.concatenate([dst, loop])
    deg = jax.ops.segment_sum(jnp.ones(s.shape[0], dtype=xw.dtype), d, num_segments=N)
    dis = jnp.where(deg > 0, deg ** -0.5, 0.0)
    norm = dis[s] * dis[d]
    out = jax.ops.segment_sum(norm[:, None] * xw[s], d, num_segments=N)
    return out + b


def reference(x, edge_index, W_rel1, b_rel1, W_root1, W_rel2, b_rel2, W_root2, W_gcn, b_gcn, W_lin, b_lin):
    src = edge_index[0]
    dst = edge_index[1]
    h = _graph_conv(x, src, dst, W_rel1, b_rel1, W_root1)
    h = jax.nn.relu(h)
    h = _graph_conv(h, src, dst, W_rel2, b_rel2, W_root2)
    h = jax.nn.relu(h)
    h = _gcn_conv(h, src, dst, W_gcn, b_gcn)
    # dropout is identity in eval mode (training=False)
    out = h @ W_lin.T + b_lin
    return out

if __name__ == "__main__":
    import jax
    _d = setup_inputs()
    print(jax.jit(kernel)(*tuple(_d.values())))

</pallas_src>

<mosaic_0001>
#map = affine_map<(d0, d1) -> (0, 0)>
#map1 = affine_map<(d0, d1) -> (0)>
module attributes {stable_mosaic.version = 14 : i64} {
  func.func @body(%arg0: i32, %arg1: i32, %arg2: memref<10000x128xf32, #tpu.memory_space<hbm>>, %arg3: memref<323584xi32, #tpu.memory_space<hbm>>, %arg4: memref<323584xi32, #tpu.memory_space<hbm>>, %arg5: memref<20224x128xf32, #tpu.memory_space<hbm>>, %arg6: memref<128xi32, #tpu.memory_space<vmem>>, %arg7: memref<128xi32, #tpu.memory_space<vmem>>, %arg8: memref<128x128xf32, #tpu.memory_space<vmem>>, %arg9: memref<10112x128xf32, #tpu.memory_space<vmem_shared>>, %arg10: memref<!tpu.dma_semaphore, #tpu.memory_space<semaphore_mem>>) attributes {dimension_semantics = [#tpu.dimension_semantics<core_parallel>, #tpu.dimension_semantics<subcore_parallel>], iteration_bounds = array<i64: 2, 16>, scalar_prefetch = 0 : i64, scratch_operands = 5 : i64, tpu.core_type = #tpu.core_type<sc_vector_subcore>, window_params = [{transform_indices = #map}, {transform_indices = #map1}, {transform_indices = #map1}, {transform_indices = #map}]} {
    %broadcast_in_dim3A = arith.constant 0.000000e+00 : f32
    %broadcast_in_dim3A_0 = vector.broadcast %broadcast_in_dim3A : f32 to vector<16xf32>
    %scan3A = arith.constant 0 : i32
    %scan3A_1 = arith.constant 0 : i32
    %scan3A_2 = arith.constant 128 : i32
    %scan3A_3 = arith.addi %scan3A_1, %scan3A_2 : i32
    %scan3A_4 = arith.constant 1 : i32
    %scan3A_5 = scf.for %scan3A_33 = %scan3A_1 to %scan3A_3 step %scan3A_4 iter_args(%scan3A_34 = %scan3A) -> (i32)  : i32 {
      %swap3A = arith.index_cast %scan3A_33 : i32 to index
      %swap3A_35 = arith.constant 0 : index
      %swap3A_36 = tpu.vector_load %arg8[%swap3A, %swap3A_35] {strides = array<i32>} : memref<128x128xf32, #tpu.memory_space<vmem>>, vector<1x16xf32>,
      %swap3A_37 = vector.shape_cast %swap3A_36 : vector<1x16xf32> to vector<16xf32>
      %swap3A_38 = vector.shape_cast %broadcast_in_dim3A_0 : vector<16xf32> to vector<1x16xf32>
      tpu.vector_store %arg8[%swap3A, %swap3A_35], %swap3A_38 {strides = array<i32>} : memref<128x128xf32, #tpu.memory_space<vmem>>, vector<1x16xf32>,
      %swap3A_39 = arith.index_cast %scan3A_33 : i32 to index
      %swap3A_40 = arith.constant 16 : index
      %swap3A_41 = tpu.vector_load %arg8[%swap3A_39, %swap3A_40] {strides = array<i32>} : memref<128x128xf32, #tpu.memory_space<vmem>>, vector<1x16xf32>,
      %swap3A_42 = vector.shape_cast %swap3A_41 : vector<1x16xf32> to vector<16xf32>
      %swap3A_43 = vector.shape_cast %broadcast_in_dim3A_0 : vector<16xf32> to vector<1x16xf32>
      tpu.vector_store %arg8[%swap3A_39, %swap3A_40], %swap3A_43 {strides = array<i32>} : memref<128x128xf32, #tpu.memory_space<vmem>>, vector<1x16xf32>,
      %swap3A_44 = arith.index_cast %scan3A_33 : i32 to index
      %swap3A_45 = arith.constant 32 : index
      %swap3A_46 = tpu.vector_load %arg8[%swap3A_44, %swap3A_45] {strides = array<i32>} : memref<128x128xf32, #tpu.memory_space<vmem>>, vector<1x16xf32>,
      %swap3A_47 = vector.shape_cast %swap3A_46 : vector<1x16xf32> to vector<16xf32>
      %swap3A_48 = vector.shape_cast %broadcast_in_dim3A_0 : vector<16xf32> to vector<1x16xf32>
      tpu.vector_store %arg8[%swap3A_44, %swap3A_45], %swap3A_48 {strides = array<i32>} : memref<128x128xf32, #tpu.memory_space<vmem>>, vector<1x16xf32>,
      %swap3A_49 = arith.index_cast %scan3A_33 : i32 to index
      %swap3A_50 = arith.constant 48 : index
      %swap3A_51 = tpu.vector_load %arg8[%swap3A_49, %swap3A_50] {strides = array<i32>} : memref<128x128xf32, #tpu.memory_space<vmem>>, vector<1x16xf32>,
      %swap3A_52 = vector.shape_cast %swap3A_51 : vector<1x16xf32> to vector<16xf32>
      %swap3A_53 = vector.shape_cast %broadcast_in_dim3A_0 : vector<16xf32> to vector<1x16xf32>
      tpu.vector_store %arg8[%swap3A_49, %swap3A_50], %swap3A_53 {strides = array<i32>} : memref<128x128xf32, #tpu.memory_space<vmem>>, vector<1x16xf32>,
      %swap3A_54 = arith.index_cast %scan3A_33 : i32 to index
      %swap3A_55 = arith.constant 64 : index
      %swap3A_56 = tpu.vector_load %arg8[%swap3A_54, %swap3A_55] {strides = array<i32>} : memref<128x128xf32, #tpu.memory_space<vmem>>, vector<1x16xf32>,
      %swap3A_57 = vector.shape_cast %swap3A_56 : vector<1x16xf32> to vector<16xf32>
      %swap3A_58 = vector.shape_cast %broadcast_in_dim3A_0 : vector<16xf32> to vector<1x16xf32>
      tpu.vector_store %arg8[%swap3A_54, %swap3A_55], %swap3A_58 {strides = array<i32>} : memref<128x128xf32, #tpu.memory_space<vmem>>, vector<1x16xf32>,
      %swap3A_59 = arith.index_cast %scan3A_33 : i32 to index
      %swap3A_60 = arith.constant 80 : index
      %swap3A_61 = tpu.vector_load %arg8[%swap3A_59, %swap3A_60] {strides = array<i32>} : memref<128x128xf32, #tpu.memory_space<vmem>>, vector<1x16xf32>,
      %swap3A_62 = vector.shape_cast %swap3A_61 : vector<1x16xf32> to vector<16xf32>
      %swap3A_63 = vector.shape_cast %broadcast_in_dim3A_0 : vector<16xf32> to vector<1x16xf32>
      tpu.vector_store %arg8[%swap3A_59, %swap3A_60], %swap3A_63 {strides = array<i32>} : memref<128x128xf32, #tpu.memory_space<vmem>>, vector<1x16xf32>,
      %swap3A_64 = arith.index_cast %scan3A_33 : i32 to index
      %swap3A_65 = arith.constant 96 : index
      %swap3A_66 = tpu.vector_load %arg8[%swap3A_64, %swap3A_65] {strides = array<i32>} : memref<128x128xf32, #tpu.memory_space<vmem>>, vector<1x16xf32>,
      %swap3A_67 = vector.shape_cast %swap3A_66 : vector<1x16xf32> to vector<16xf32>
      %swap3A_68 = vector.shape_cast %broadcast_in_dim3A_0 : vector<16xf32> to vector<1x16xf32>
      tpu.vector_store %arg8[%swap3A_64, %swap3A_65], %swap3A_68 {strides = array<i32>} : memref<128x128xf32, #tpu.memory_space<vmem>>, vector<1x16xf32>,
      %swap3A_69 = arith.index_cast %scan3A_33 : i32 to index
      %swap3A_70 = arith.constant 112 : index
      %swap3A_71 = tpu.vector_load %arg8[%swap3A_69, %swap3A_70] {strides = array<i32>} : memref<128x128xf32, #tpu.memory_space<vmem>>, vector<1x16xf32>,
      %swap3A_72 = vector.shape_cast %swap3A_71 : vector<1x16xf32> to vector<16xf32>
      %swap3A_73 = vector.shape_cast %broadcast_in_dim3A_0 : vector<16xf32> to vector<1x16xf32>
      tpu.vector_store %arg8[%swap3A_69, %swap3A_70], %swap3A_73 {strides = array<i32>} : memref<128x128xf32, #tpu.memory_space<vmem>>, vector<1x16xf32>,
      %scan3A_74 = arith.constant 0 : i32
      scf.yield %scan3A_74 : i32
    }
    %scan3A_6 = arith.constant 128 : i32
    %mul3A = arith.constant 632 : i32
    %mul3A_7 = arith.muli %arg1, %mul3A : i32
    %add3A = arith.constant 0 : i32
    %add3A_8 = arith.addi %mul3A_7, %add3A : i32
    "tpu.region"() ({
      %run_scoped3A = tpu.sem_alloc : memref<!tpu.dma_semaphore, #tpu.memory_space<semaphore_mem>>
      %dma_start3A = arith.constant 0 : i32
      %dma_start3A_33 = arith.constant 0 : i32
      %dma_start3A_34 = tpu.memref_slice %arg8[%dma_start3A, %dma_start3A_33] : memref<128x128xf32, #tpu.memory_space<vmem>> -> memref<128x128xf32, #tpu.memory_space<vmem>>
      %dma_start3A_35 = arith.constant 0 : i32
      %dma_start3A_36 = tpu.memref_slice %arg9[%add3A_8, %dma_start3A_35] : memref<10112x128xf32, #tpu.memory_space<vmem_shared>> -> memref<128x128xf32, #tpu.memory_space<vmem_shared>>
      %dma_start3A_37 = arith.constant 0 : i32
      %dma_start3A_38 = tpu.memref_slice %arg9[%add3A_8, %dma_start3A_37] : memref<10112x128xf32, #tpu.memory_space<vmem_shared>> -> memref<128x128xf32, #tpu.memory_space<vmem_shared>>
      %dma_start3A_39 = arith.constant 0 : i32
      %dma_start3A_40 = arith.constant 0 : i32
      %dma_start3A_41 = tpu.memref_slice %arg8[%dma_start3A_39, %dma_start3A_40] : memref<128x128xf32, #tpu.memory_space<vmem>> -> memref<128x128xf32, #tpu.memory_space<vmem>>
      tpu.enqueue_dma source(%dma_start3A_41 : memref<128x128xf32, #tpu.memory_space<vmem>>) target(%dma_start3A_38 : memref<128x128xf32, #tpu.memory_space<vmem_shared>>) target_semaphore(%run_scoped3A : memref<!tpu.dma_semaphore, #tpu.memory_space<semaphore_mem>>)
      %dma_wait3A = arith.constant 0 : i32
      %dma_wait3A_42 = arith.constant 0 : i32
      %dma_wait3A_43 = tpu.memref_slice %arg8[%dma_wait3A, %dma_wait3A_42] : memref<128x128xf32, #tpu.memory_space<vmem>> -> memref<128x128xf32, #tpu.memory_space<vmem>>
      %dma_wait3A_44 = arith.constant 0 : i32
      %dma_wait3A_45 = tpu.memref_slice %arg9[%add3A_8, %dma_wait3A_44] : memref<10112x128xf32, #tpu.memory_space<vmem_shared>> -> memref<128x128xf32, #tpu.memory_space<vmem_shared>>
      %dma_wait3A_46 = arith.constant 0 : i32
      %dma_wait3A_47 = tpu.memref_slice %arg9[%add3A_8, %dma_wait3A_46] : memref<10112x128xf32, #tpu.memory_space<vmem_shared>> -> memref<128x128xf32, #tpu.memory_space<vmem_shared>>
      %dma_wait3A_48 = arith.constant 0 : i32
      %dma_wait3A_49 = arith.constant 0 : i32
      %dma_wait3A_50 = tpu.memref_slice %arg8[%dma_wait3A_48, %dma_wait3A_49] : memref<128x128xf32, #tpu.memory_space<vmem>> -> memref<128x128xf32, #tpu.memory_space<vmem>>
      tpu.wait_dma2 semaphore(%run_scoped3A : memref<!tpu.dma_semaphore, #tpu.memory_space<semaphore_mem>>) src(%dma_wait3A_50 : memref<128x128xf32, #tpu.memory_space<vmem>>) dst(%dma_wait3A_47 : memref<128x128xf32, #tpu.memory_space<vmem_shared>>)
      tpu.yield
    }) : () -> ()
    %add3A_9 = arith.constant 128 : i32
    %add3A_10 = arith.addi %mul3A_7, %add3A_9 : i32
    "tpu.region"() ({
      %run_scoped3A = tpu.sem_alloc : memref<!tpu.dma_semaphore, #tpu.memory_space<semaphore_mem>>
      %dma_start3A = arith.constant 0 : i32
      %dma_start3A_33 = arith.constant 0 : i32
      %dma_start3A_34 = tpu.memref_slice %arg8[%dma_start3A, %dma_start3A_33] : memref<128x128xf32, #tpu.memory_space<vmem>> -> memref<128x128xf32, #tpu.memory_space<vmem>>
      %dma_start3A_35 = arith.constant 0 : i32
      %dma_start3A_36 = tpu.memref_slice %arg9[%add3A_10, %dma_start3A_35] : memref<10112x128xf32, #tpu.memory_space<vmem_shared>> -> memref<128x128xf32, #tpu.memory_space<vmem_shared>>
      %dma_start3A_37 = arith.constant 0 : i32
      %dma_start3A_38 = tpu.memref_slice %arg9[%add3A_10, %dma_start3A_37] : memref<10112x128xf32, #tpu.memory_space<vmem_shared>> -> memref<128x128xf32, #tpu.memory_space<vmem_shared>>
      %dma_start3A_39 = arith.constant 0 : i32
      %dma_start3A_40 = arith.constant 0 : i32
      %dma_start3A_41 = tpu.memref_slice %arg8[%dma_start3A_39, %dma_start3A_40] : memref<128x128xf32, #tpu.memory_space<vmem>> -> memref<128x128xf32, #tpu.memory_space<vmem>>
      tpu.enqueue_dma source(%dma_start3A_41 : memref<128x128xf32, #tpu.memory_space<vmem>>) target(%dma_start3A_38 : memref<128x128xf32, #tpu.memory_space<vmem_shared>>) target_semaphore(%run_scoped3A : memref<!tpu.dma_semaphore, #tpu.memory_space<semaphore_mem>>)
      %dma_wait3A = arith.constant 0 : i32
      %dma_wait3A_42 = arith.constant 0 : i32
      %dma_wait3A_43 = tpu.memref_slice %arg8[%dma_wait3A, %dma_wait3A_42] : memref<128x128xf32, #tpu.memory_space<vmem>> -> memref<128x128xf32, #tpu.memory_space<vmem>>
      %dma_wait3A_44 = arith.constant 0 : i32
      %dma_wait3A_45 = tpu.memref_slice %arg9[%add3A_10, %dma_wait3A_44] : memref<10112x128xf32, #tpu.memory_space<vmem_shared>> -> memref<128x128xf32, #tpu.memory_space<vmem_shared>>
      %dma_wait3A_46 = arith.constant 0 : i32
      %dma_wait3A_47 = tpu.memref_slice %arg9[%add3A_10, %dma_wait3A_46] : memref<10112x128xf32, #tpu.memory_space<vmem_shared>> -> memref<128x128xf32, #tpu.memory_space<vmem_shared>>
      %dma_wait3A_48 = arith.constant 0 : i32
      %dma_wait3A_49 = arith.constant 0 : i32
      %dma_wait3A_50 = tpu.memref_slice %arg8[%dma_wait3A_48, %dma_wait3A_49] : memref<128x128xf32, #tpu.memory_space<vmem>> -> memref<128x128xf32, #tpu.memory_space<vmem>>
      tpu.wait_dma2 semaphore(%run_scoped3A : memref<!tpu.dma_semaphore, #tpu.memory_space<semaphore_mem>>) src(%dma_wait3A_50 : memref<128x128xf32, #tpu.memory_space<vmem>>) dst(%dma_wait3A_47 : memref<128x128xf32, #tpu.memory_space<vmem_shared>>)
      tpu.yield
    }) : () -> ()
    %add3A_11 = arith.constant 256 : i32
    %add3A_12 = arith.addi %mul3A_7, %add3A_11 : i32
    "tpu.region"() ({
      %run_scoped3A = tpu.sem_alloc : memref<!tpu.dma_semaphore, #tpu.memory_space<semaphore_mem>>
      %dma_start3A = arith.constant 0 : i32
      %dma_start3A_33 = arith.constant 0 : i32
      %dma_start3A_34 = tpu.memref_slice %arg8[%dma_start3A, %dma_start3A_33] : memref<128x128xf32, #tpu.memory_space<vmem>> -> memref<128x128xf32, #tpu.memory_space<vmem>>
      %dma_start3A_35 = arith.constant 0 : i32
      %dma_start3A_36 = tpu.memref_slice %arg9[%add3A_12, %dma_start3A_35] : memref<10112x128xf32, #tpu.memory_space<vmem_shared>> -> memref<128x128xf32, #tpu.memory_space<vmem_shared>>
      %dma_start3A_37 = arith.constant 0 : i32
      %dma_start3A_38 = tpu.memref_slice %arg9[%add3A_12, %dma_start3A_37] : memref<10112x128xf32, #tpu.memory_space<vmem_shared>> -> memref<128x128xf32, #tpu.memory_space<vmem_shared>>
      %dma_start3A_39 = arith.constant 0 : i32
      %dma_start3A_40 = arith.constant 0 : i32
      %dma_start3A_41 = tpu.memref_slice %arg8[%dma_start3A_39, %dma_start3A_40] : memref<128x128xf32, #tpu.memory_space<vmem>> -> memref<128x128xf32, #tpu.memory_space<vmem>>
      tpu.enqueue_dma source(%dma_start3A_41 : memref<128x128xf32, #tpu.memory_space<vmem>>) target(%dma_start3A_38 : memref<128x128xf32, #tpu.memory_space<vmem_shared>>) target_semaphore(%run_scoped3A : memref<!tpu.dma_semaphore, #tpu.memory_space<semaphore_mem>>)
      %dma_wait3A = arith.constant 0 : i32
      %dma_wait3A_42 = arith.constant 0 : i32
      %dma_wait3A_43 = tpu.memref_slice %arg8[%dma_wait3A, %dma_wait3A_42] : memref<128x128xf32, #tpu.memory_space<vmem>> -> memref<128x128xf32, #tpu.memory_space<vmem>>
      %dma_wait3A_44 = arith.constant 0 : i32
      %dma_wait3A_45 = tpu.memref_slice %arg9[%add3A_12, %dma_wait3A_44] : memref<10112x128xf32, #tpu.memory_space<vmem_shared>> -> memref<128x128xf32, #tpu.memory_space<vmem_shared>>
      %dma_wait3A_46 = arith.constant 0 : i32
      %dma_wait3A_47 = tpu.memref_slice %arg9[%add3A_12, %dma_wait3A_46] : memref<10112x128xf32, #tpu.memory_space<vmem_shared>> -> memref<128x128xf32, #tpu.memory_space<vmem_shared>>
      %dma_wait3A_48 = arith.constant 0 : i32
      %dma_wait3A_49 = arith.constant 0 : i32
      %dma_wait3A_50 = tpu.memref_slice %arg8[%dma_wait3A_48, %dma_wait3A_49] : memref<128x128xf32, #tpu.memory_space<vmem>> -> memref<128x128xf32, #tpu.memory_space<vmem>>
      tpu.wait_dma2 semaphore(%run_scoped3A : memref<!tpu.dma_semaphore, #tpu.memory_space<semaphore_mem>>) src(%dma_wait3A_50 : memref<128x128xf32, #tpu.memory_space<vmem>>) dst(%dma_wait3A_47 : memref<128x128xf32, #tpu.memory_space<vmem_shared>>)
      tpu.yield
    }) : () -> ()
    %add3A_13 = arith.constant 384 : i32
    %add3A_14 = arith.addi %mul3A_7, %add3A_13 : i32
    "tpu.region"() ({
      %run_scoped3A = tpu.sem_alloc : memref<!tpu.dma_semaphore, #tpu.memory_space<semaphore_mem>>
      %dma_start3A = arith.constant 0 : i32
      %dma_start3A_33 = arith.constant 0 : i32
      %dma_start3A_34 = tpu.memref_slice %arg8[%dma_start3A, %dma_start3A_33] : memref<128x128xf32, #tpu.memory_space<vmem>> -> memref<128x128xf32, #tpu.memory_space<vmem>>
      %dma_start3A_35 = arith.constant 0 : i32
      %dma_start3A_36 = tpu.memref_slice %arg9[%add3A_14, %dma_start3A_35] : memref<10112x128xf32, #tpu.memory_space<vmem_shared>> -> memref<128x128xf32, #tpu.memory_space<vmem_shared>>
      %dma_start3A_37 = arith.constant 0 : i32
      %dma_start3A_38 = tpu.memref_slice %arg9[%add3A_14, %dma_start3A_37] : memref<10112x128xf32, #tpu.memory_space<vmem_shared>> -> memref<128x128xf32, #tpu.memory_space<vmem_shared>>
      %dma_start3A_39 = arith.constant 0 : i32
      %dma_start3A_40 = arith.constant 0 : i32
      %dma_start3A_41 = tpu.memref_slice %arg8[%dma_start3A_39, %dma_start3A_40] : memref<128x128xf32, #tpu.memory_space<vmem>> -> memref<128x128xf32, #tpu.memory_space<vmem>>
      tpu.enqueue_dma source(%dma_start3A_41 : memref<128x128xf32, #tpu.memory_space<vmem>>) target(%dma_start3A_38 : memref<128x128xf32, #tpu.memory_space<vmem_shared>>) target_semaphore(%run_scoped3A : memref<!tpu.dma_semaphore, #tpu.memory_space<semaphore_mem>>)
      %dma_wait3A = arith.constant 0 : i32
      %dma_wait3A_42 = arith.constant 0 : i32
      %dma_wait3A_43 = tpu.memref_slice %arg8[%dma_wait3A, %dma_wait3A_42] : memref<128x128xf32, #tpu.memory_space<vmem>> -> memref<128x128xf32, #tpu.memory_space<vmem>>
      %dma_wait3A_44 = arith.constant 0 : i32
      %dma_wait3A_45 = tpu.memref_slice %arg9[%add3A_14, %dma_wait3A_44] : memref<10112x128xf32, #tpu.memory_space<vmem_shared>> -> memref<128x128xf32, #tpu.memory_space<vmem_shared>>
      %dma_wait3A_46 = arith.constant 0 : i32
      %dma_wait3A_47 = tpu.memref_slice %arg9[%add3A_14, %dma_wait3A_46] : memref<10112x128xf32, #tpu.memory_space<vmem_shared>> -> memref<128x128xf32, #tpu.memory_space<vmem_shared>>
      %dma_wait3A_48 = arith.constant 0 : i32
      %dma_wait3A_49 = arith.constant 0 : i32
      %dma_wait3A_50 = tpu.memref_slice %arg8[%dma_wait3A_48, %dma_wait3A_49] : memref<128x128xf32, #tpu.memory_space<vmem>> -> memref<128x128xf32, #tpu.memory_space<vmem>>
      tpu.wait_dma2 semaphore(%run_scoped3A : memref<!tpu.dma_semaphore, #tpu.memory_space<semaphore_mem>>) src(%dma_wait3A_50 : memref<128x128xf32, #tpu.memory_space<vmem>>) dst(%dma_wait3A_47 : memref<128x128xf32, #tpu.memory_space<vmem_shared>>)
      tpu.yield
    }) : () -> ()
    %add3A_15 = arith.constant 512 : i32
    %add3A_16 = arith.addi %mul3A_7, %add3A_15 : i32
    "tpu.region"() ({
      %run_scoped3A = tpu.sem_alloc : memref<!tpu.dma_semaphore, #tpu.memory_space<semaphore_mem>>
      %dma_start3A = arith.constant 0 : i32
      %dma_start3A_33 = arith.constant 0 : i32
      %dma_start3A_34 = tpu.memref_slice %arg8[%dma_start3A, %dma_start3A_33] : memref<128x128xf32, #tpu.memory_space<vmem>> -> memref<120x128xf32, #tpu.memory_space<vmem>>
      %dma_start3A_35 = arith.constant 0 : i32
      %dma_start3A_36 = tpu.memref_slice %arg9[%add3A_16, %dma_start3A_35] : memref<10112x128xf32, #tpu.memory_space<vmem_shared>> -> memref<120x128xf32, #tpu.memory_space<vmem_shared>>
      %dma_start3A_37 = arith.constant 0 : i32
      %dma_start3A_38 = tpu.memref_slice %arg9[%add3A_16, %dma_start3A_37] : memref<10112x128xf32, #tpu.memory_space<vmem_shared>> -> memref<120x128xf32, #tpu.memory_space<vmem_shared>>
      %dma_start3A_39 = arith.constant 0 : i32
      %dma_start3A_40 = arith.constant 0 : i32
      %dma_start3A_41 = tpu.memref_slice %arg8[%dma_start3A_39, %dma_start3A_40] : memref<128x128xf32, #tpu.memory_space<vmem>> -> memref<120x128xf32, #tpu.memory_space<vmem>>
      tpu.enqueue_dma source(%dma_start3A_41 : memref<120x128xf32, #tpu.memory_space<vmem>>) target(%dma_start3A_38 : memref<120x128xf32, #tpu.memory_space<vmem_shared>>) target_semaphore(%run_scoped3A : memref<!tpu.dma_semaphore, #tpu.memory_space<semaphore_mem>>)
      %dma_wait3A = arith.constant 0 : i32
      %dma_wait3A_42 = arith.constant 0 : i32
      %dma_wait3A_43 = tpu.memref_slice %arg8[%dma_wait3A, %dma_wait3A_42] : memref<128x128xf32, #tpu.memory_space<vmem>> -> memref<120x128xf32, #tpu.memory_space<vmem>>
      %dma_wait3A_44 = arith.constant 0 : i32
      %dma_wait3A_45 = tpu.memref_slice %arg9[%add3A_16, %dma_wait3A_44] : memref<10112x128xf32, #tpu.memory_space<vmem_shared>> -> memref<120x128xf32, #tpu.memory_space<vmem_shared>>
      %dma_wait3A_46 = arith.constant 0 : i32
      %dma_wait3A_47 = tpu.memref_slice %arg9[%add3A_16, %dma_wait3A_46] : memref<10112x128xf32, #tpu.memory_space<vmem_shared>> -> memref<120x128xf32, #tpu.memory_space<vmem_shared>>
      %dma_wait3A_48 = arith.constant 0 : i32
      %dma_wait3A_49 = arith.constant 0 : i32
      %dma_wait3A_50 = tpu.memref_slice %arg8[%dma_wait3A_48, %dma_wait3A_49] : memref<128x128xf32, #tpu.memory_space<vmem>> -> memref<120x128xf32, #tpu.memory_space<vmem>>
      tpu.wait_dma2 semaphore(%run_scoped3A : memref<!tpu.dma_semaphore, #tpu.memory_space<semaphore_mem>>) src(%dma_wait3A_50 : memref<120x128xf32, #tpu.memory_space<vmem>>) dst(%dma_wait3A_47 : memref<120x128xf32, #tpu.memory_space<vmem_shared>>)
      tpu.yield
    }) : () -> ()
    %barrier3A = arith.constant 0 : index
    tpu.barrier barrier_id(%barrier3A)
    %mul3A_17 = arith.constant 16 : i32
    %mul3A_18 = arith.muli %arg0, %mul3A_17 : i32
    %add3A_19 = arith.addi %mul3A_18, %arg1 : i32
    %mul3A_20 = arith.constant 10112 : i32
    %mul3A_21 = arith.muli %add3A_19, %mul3A_20 : i32
    %scan3A_22 = arith.constant 0 : i32
    %scan3A_23 = arith.constant 0 : i32
    %scan3A_24 = arith.constant 79 : i32
    %scan3A_25 = arith.addi %scan3A_23, %scan3A_24 : i32
    %scan3A_26 = arith.constant 1 : i32
    %scan3A_27 = scf.for %scan3A_33 = %scan3A_23 to %scan3A_25 step %scan3A_26 iter_args(%scan3A_34 = %scan3A_22) -> (i32)  : i32 {
      %mul3A_35 = arith.constant 128 : i32
      %mul3A_36 = arith.muli %scan3A_33, %mul3A_35 : i32
      %add3A_37 = arith.addi %mul3A_21, %mul3A_36 : i32
      "tpu.region"() ({
        %run_scoped3A = tpu.sem_alloc : memref<!tpu.dma_semaphore, #tpu.memory_space<semaphore_mem>>
        %dma_start3A_43 = tpu.memref_slice %arg3[%add3A_37] : memref<323584xi32, #tpu.memory_space<hbm>> -> memref<128xi32, #tpu.memory_space<hbm>>
        %dma_start3A_44 = tpu.memref_slice %arg3[%add3A_37] : memref<323584xi32, #tpu.memory_space<hbm>> -> memref<128xi32, #tpu.memory_space<hbm>>
        tpu.enqueue_dma source(%dma_start3A_44 : memref<128xi32, #tpu.memory_space<hbm>>) target(%arg6 : memref<128xi32, #tpu.memory_space<vmem>>) target_semaphore(%run_scoped3A : memref<!tpu.dma_semaphore, #tpu.memory_space<semaphore_mem>>)
        %dma_wait3A_45 = tpu.memref_slice %arg3[%add3A_37] : memref<323584xi32, #tpu.memory_space<hbm>> -> memref<128xi32, #tpu.memory_space<hbm>>
        %dma_wait3A_46 = tpu.memref_slice %arg3[%add3A_37] : memref<323584xi32, #tpu.memory_space<hbm>> -> memref<128xi32, #tpu.memory_space<hbm>>
        tpu.wait_dma2 semaphore(%run_scoped3A : memref<!tpu.dma_semaphore, #tpu.memory_space<semaphore_mem>>) src(%dma_wait3A_46 : memref<128xi32, #tpu.memory_space<hbm>>) dst(%arg6 : memref<128xi32, #tpu.memory_space<vmem>>)
        tpu.yield
      }) : () -> ()
      "tpu.region"() ({
        %run_scoped3A = tpu.sem_alloc : memref<!tpu.dma_semaphore, #tpu.memory_space<semaphore_mem>>
        %dma_start3A_43 = tpu.memref_slice %arg4[%add3A_37] : memref<323584xi32, #tpu.memory_space<hbm>> -> memref<128xi32, #tpu.memory_space<hbm>>
        %dma_start3A_44 = tpu.memref_slice %arg4[%add3A_37] : memref<323584xi32, #tpu.memory_space<hbm>> -> memref<128xi32, #tpu.memory_space<hbm>>
        tpu.enqueue_dma source(%dma_start3A_44 : memref<128xi32, #tpu.memory_space<hbm>>) target(%arg7 : memref<128xi32, #tpu.memory_space<vmem>>) target_semaphore(%run_scoped3A : memref<!tpu.dma_semaphore, #tpu.memory_space<semaphore_mem>>)
        %dma_wait3A_45 = tpu.memref_slice %arg4[%add3A_37] : memref<323584xi32, #tpu.memory_space<hbm>> -> memref<128xi32, #tpu.memory_space<hbm>>
        %dma_wait3A_46 = tpu.memref_slice %arg4[%add3A_37] : memref<323584xi32, #tpu.memory_space<hbm>> -> memref<128xi32, #tpu.memory_space<hbm>>
        tpu.wait_dma2 semaphore(%run_scoped3A : memref<!tpu.dma_semaphore, #tpu.memory_space<semaphore_mem>>) src(%dma_wait3A_46 : memref<128xi32, #tpu.memory_space<hbm>>) dst(%arg7 : memref<128xi32, #tpu.memory_space<vmem>>)
        tpu.yield
      }) : () -> ()
      %dma_start3A = arith.constant 0 : i32
      %dma_start3A_38 = arith.constant 0 : i32
      %dma_start3A_39 = tpu.memref_slice %arg2[%dma_start3A, %dma_start3A_38] : memref<10000x128xf32, #tpu.memory_space<hbm>> -> memref<10000x128xf32, #tpu.memory_space<hbm>>
      tpu.enqueue_indirect_dma source(%dma_start3A_39 : memref<10000x128xf32, #tpu.memory_space<hbm>>) target(%arg8 : memref<128x128xf32, #tpu.memory_space<vmem>>) offsets(%arg6 : memref<128xi32, #tpu.memory_space<vmem>>) semaphore(%arg10 : memref<!tpu.dma_semaphore, #tpu.memory_space<semaphore_mem>>)
      %dma_wait3A = arith.constant 0 : i32
      %dma_wait3A_40 = arith.constant 0 : i32
      %dma_wait3A_41 = tpu.memref_slice %arg2[%dma_wait3A, %dma_wait3A_40] : memref<10000x128xf32, #tpu.memory_space<hbm>> -> memref<10000x128xf32, #tpu.memory_space<hbm>>
      tpu.wait_indirect_dma semaphore(%arg10 : memref<!tpu.dma_semaphore, #tpu.memory_space<semaphore_mem>>) src(%dma_wait3A_41 : memref<10000x128xf32, #tpu.memory_space<hbm>>) dst(%arg8 : memref<128x128xf32, #tpu.memory_space<vmem>>)
      "tpu.region"() ({
        %run_scoped3A = tpu.sem_alloc : memref<!tpu.dma_semaphore, #tpu.memory_space<semaphore_mem>>
        %dma_start3A_43 = arith.constant 0 : i32
        %dma_start3A_44 = arith.constant 0 : i32
        %dma_start3A_45 = tpu.memref_slice %arg9[%dma_start3A_43, %dma_start3A_44] : memref<10112x128xf32, #tpu.memory_space<vmem_shared>> -> memref<10112x128xf32, #tpu.memory_space<vmem_shared>>
        tpu.enqueue_indirect_dma source(%arg8 : memref<128x128xf32, #tpu.memory_space<vmem>>) target(%dma_start3A_45 : memref<10112x128xf32, #tpu.memory_space<vmem_shared>>) offsets(%arg7 : memref<128xi32, #tpu.memory_space<vmem>>) semaphore(%run_scoped3A : memref<!tpu.dma_semaphore, #tpu.memory_space<semaphore_mem>>) {add = true}
        %dma_wait3A_46 = arith.constant 0 : i32
        %dma_wait3A_47 = arith.constant 0 : i32
        %dma_wait3A_48 = tpu.memref_slice %arg9[%dma_wait3A_46, %dma_wait3A_47] : memref<10112x128xf32, #tpu.memory_space<vmem_shared>> -> memref<10112x128xf32, #tpu.memory_space<vmem_shared>>
        tpu.wait_indirect_dma semaphore(%run_scoped3A : memref<!tpu.dma_semaphore, #tpu.memory_space<semaphore_mem>>) src(%arg8 : memref<128x128xf32, #tpu.memory_space<vmem>>) dst(%dma_wait3A_48 : memref<10112x128xf32, #tpu.memory_space<vmem_shared>>)
        tpu.yield
      }) : () -> ()
      %scan3A_42 = arith.constant 0 : i32
      scf.yield %scan3A_42 : i32
    }
    %scan3A_28 = arith.constant 79 : i32
    %barrier3A_29 = arith.constant 0 : index
    tpu.barrier barrier_id(%barrier3A_29)
    %mul3A_30 = arith.constant 10112 : i32
    %mul3A_31 = arith.muli %arg0, %mul3A_30 : i32
    %add3A_32 = arith.addi %mul3A_31, %mul3A_7 : i32
    "tpu.region"() ({
      %run_scoped3A = tpu.sem_alloc : memref<!tpu.dma_semaphore, #tpu.memory_space<semaphore_mem>>
      %dma_start3A = arith.constant 0 : i32
      %dma_start3A_33 = tpu.memref_slice %arg5[%add3A_32, %dma_start3A] : memref<20224x128xf32, #tpu.memory_space<hbm>> -> memref<632x128xf32, #tpu.memory_space<hbm>>
      %dma_start3A_34 = arith.constant 0 : i32
      %dma_start3A_35 = tpu.memref_slice %arg9[%mul3A_7, %dma_start3A_34] : memref<10112x128xf32, #tpu.memory_space<vmem_shared>> -> memref<632x128xf32, #tpu.memory_space<vmem_shared>>
      tpu.enqueue_dma source(%dma_start3A_35 : memref<632x128xf32, #tpu.memory_space<vmem_shared>>) target(%dma_start3A_33 : memref<632x128xf32, #tpu.memory_space<hbm>>) target_semaphore(%run_scoped3A : memref<!tpu.dma_semaphore, #tpu.memory_space<semaphore_mem>>)
      %dma_wait3A = arith.constant 0 : i32
      %dma_wait3A_36 = tpu.memref_slice %arg5[%add3A_32, %dma_wait3A] : memref<20224x128xf32, #tpu.memory_space<hbm>> -> memref<632x128xf32, #tpu.memory_space<hbm>>
      %dma_wait3A_37 = arith.constant 0 : i32
      %dma_wait3A_38 = tpu.memref_slice %arg9[%mul3A_7, %dma_wait3A_37] : memref<10112x128xf32, #tpu.memory_space<vmem_shared>> -> memref<632x128xf32, #tpu.memory_space<vmem_shared>>
      tpu.wait_dma2 semaphore(%run_scoped3A : memref<!tpu.dma_semaphore, #tpu.memory_space<semaphore_mem>>) src(%dma_wait3A_38 : memref<632x128xf32, #tpu.memory_space<vmem_shared>>) dst(%dma_wait3A_36 : memref<632x128xf32, #tpu.memory_space<hbm>>)
      tpu.yield
    }) : () -> ()
    return
  }
}

#map = affine_map<(d0, d1) -> (0, 0)>
#map1 = affine_map<(d0, d1) -> (0)>
module attributes {stable_mosaic.version = 14 : i64} {
  func.func @body(%arg0: i32, %arg1: i32, %arg2: memref<10000x128xf32, #tpu.memory_space<hbm>>, %arg3: memref<323584xi32, #tpu.memory_space<hbm>>, %arg4: memref<323584xi32, #tpu.memory_space<hbm>>, %arg5: memref<20224x128xf32, #tpu.memory_space<hbm>>, %arg6: memref<128xi32, #tpu.memory_space<vmem>>, %arg7: memref<128xi32, #tpu.memory_space<vmem>>, %arg8: memref<128x128xf32, #tpu.memory_space<vmem>>, %arg9: memref<10112x128xf32, #tpu.memory_space<vmem_shared>>, %arg10: memref<!tpu.dma_semaphore, #tpu.memory_space<semaphore_mem>>) attributes {dimension_semantics = [#tpu.dimension_semantics<core_parallel>, #tpu.dimension_semantics<subcore_parallel>], iteration_bounds = array<i64: 2, 16>, scalar_prefetch = 0 : i64, scratch_operands = 5 : i64, tpu.core_type = #tpu.core_type<sc_vector_subcore>, window_params = [{transform_indices = #map}, {transform_indices = #map1}, {transform_indices = #map1}, {transform_indices = #map}]} {
    %broadcast_in_dim3A = arith.constant 0.000000e+00 : f32
    %broadcast_in_dim3A_0 = vector.broadcast %broadcast_in_dim3A : f32 to vector<16xf32>
    %scan3A = arith.constant 0 : i32
    %scan3A_1 = arith.constant 0 : i32
    %scan3A_2 = arith.constant 128 : i32
    %scan3A_3 = arith.addi %scan3A_1, %scan3A_2 : i32
    %scan3A_4 = arith.constant 1 : i32
    %scan3A_5 = scf.for %scan3A_33 = %scan3A_1 to %scan3A_3 step %scan3A_4 iter_args(%scan3A_34 = %scan3A) -> (i32)  : i32 {
      %swap3A = arith.index_cast %scan3A_33 : i32 to index
      %swap3A_35 = arith.constant 0 : index
      %swap3A_36 = tpu.vector_load %arg8[%swap3A, %swap3A_35] {strides = array<i32>} : memref<128x128xf32, #tpu.memory_space<vmem>>, vector<1x16xf32>,
      %swap3A_37 = vector.shape_cast %swap3A_36 : vector<1x16xf32> to vector<16xf32>
      %swap3A_38 = vector.shape_cast %broadcast_in_dim3A_0 : vector<16xf32> to vector<1x16xf32>
      tpu.vector_store %arg8[%swap3A, %swap3A_35], %swap3A_38 {strides = array<i32>} : memref<128x128xf32, #tpu.memory_space<vmem>>, vector<1x16xf32>,
      %swap3A_39 = arith.index_cast %scan3A_33 : i32 to index
      %swap3A_40 = arith.constant 16 : index
      %swap3A_41 = tpu.vector_load %arg8[%swap3A_39, %swap3A_40] {strides = array<i32>} : memref<128x128xf32, #tpu.memory_space<vmem>>, vector<1x16xf32>,
      %swap3A_42 = vector.shape_cast %swap3A_41 : vector<1x16xf32> to vector<16xf32>
      %swap3A_43 = vector.shape_cast %broadcast_in_dim3A_0 : vector<16xf32> to vector<1x16xf32>
      tpu.vector_store %arg8[%swap3A_39, %swap3A_40], %swap3A_43 {strides = array<i32>} : memref<128x128xf32, #tpu.memory_space<vmem>>, vector<1x16xf32>,
      %swap3A_44 = arith.index_cast %scan3A_33 : i32 to index
      %swap3A_45 = arith.constant 32 : index
      %swap3A_46 = tpu.vector_load %arg8[%swap3A_44, %swap3A_45] {strides = array<i32>} : memref<128x128xf32, #tpu.memory_space<vmem>>, vector<1x16xf32>,
      %swap3A_47 = vector.shape_cast %swap3A_46 : vector<1x16xf32> to vector<16xf32>
      %swap3A_48 = vector.shape_cast %broadcast_in_dim3A_0 : vector<16xf32> to vector<1x16xf32>
      tpu.vector_store %arg8[%swap3A_44, %swap3A_45], %swap3A_48 {strides = array<i32>} : memref<128x128xf32, #tpu.memory_space<vmem>>, vector<1x16xf32>,
      %swap3A_49 = arith.index_cast %scan3A_33 : i32 to index
      %swap3A_50 = arith.constant 48 : index
      %swap3A_51 = tpu.vector_load %arg8[%swap3A_49, %swap3A_50] {strides = array<i32>} : memref<128x128xf32, #tpu.memory_space<vmem>>, vector<1x16xf32>,
      %swap3A_52 = vector.shape_cast %swap3A_51 : vector<1x16xf32> to vector<16xf32>
      %swap3A_53 = vector.shape_cast %broadcast_in_dim3A_0 : vector<16xf32> to vector<1x16xf32>
      tpu.vector_store %arg8[%swap3A_49, %swap3A_50], %swap3A_53 {strides = array<i32>} : memref<128x128xf32, #tpu.memory_space<vmem>>, vector<1x16xf32>,
      %swap3A_54 = arith.index_cast %scan3A_33 : i32 to index
      %swap3A_55 = arith.constant 64 : index
      %swap3A_56 = tpu.vector_load %arg8[%swap3A_54, %swap3A_55] {strides = array<i32>} : memref<128x128xf32, #tpu.memory_space<vmem>>, vector<1x16xf32>,
      %swap3A_57 = vector.shape_cast %swap3A_56 : vector<1x16xf32> to vector<16xf32>
      %swap3A_58 = vector.shape_cast %broadcast_in_dim3A_0 : vector<16xf32> to vector<1x16xf32>
      tpu.vector_store %arg8[%swap3A_54, %swap3A_55], %swap3A_58 {strides = array<i32>} : memref<128x128xf32, #tpu.memory_space<vmem>>, vector<1x16xf32>,
      %swap3A_59 = arith.index_cast %scan3A_33 : i32 to index
      %swap3A_60 = arith.constant 80 : index
      %swap3A_61 = tpu.vector_load %arg8[%swap3A_59, %swap3A_60] {strides = array<i32>} : memref<128x128xf32, #tpu.memory_space<vmem>>, vector<1x16xf32>,
      %swap3A_62 = vector.shape_cast %swap3A_61 : vector<1x16xf32> to vector<16xf32>
      %swap3A_63 = vector.shape_cast %broadcast_in_dim3A_0 : vector<16xf32> to vector<1x16xf32>
      tpu.vector_store %arg8[%swap3A_59, %swap3A_60], %swap3A_63 {strides = array<i32>} : memref<128x128xf32, #tpu.memory_space<vmem>>, vector<1x16xf32>,
      %swap3A_64 = arith.index_cast %scan3A_33 : i32 to index
      %swap3A_65 = arith.constant 96 : index
      %swap3A_66 = tpu.vector_load %arg8[%swap3A_64, %swap3A_65] {strides = array<i32>} : memref<128x128xf32, #tpu.memory_space<vmem>>, vector<1x16xf32>,
      %swap3A_67 = vector.shape_cast %swap3A_66 : vector<1x16xf32> to vector<16xf32>
      %swap3A_68 = vector.shape_cast %broadcast_in_dim3A_0 : vector<16xf32> to vector<1x16xf32>
      tpu.vector_store %arg8[%swap3A_64, %swap3A_65], %swap3A_68 {strides = array<i32>} : memref<128x128xf32, #tpu.memory_space<vmem>>, vector<1x16xf32>,
      %swap3A_69 = arith.index_cast %scan3A_33 : i32 to index
      %swap3A_70 = arith.constant 112 : index
      %swap3A_71 = tpu.vector_load %arg8[%swap3A_69, %swap3A_70] {strides = array<i32>} : memref<128x128xf32, #tpu.memory_space<vmem>>, vector<1x16xf32>,
      %swap3A_72 = vector.shape_cast %swap3A_71 : vector<1x16xf32> to vector<16xf32>
      %swap3A_73 = vector.shape_cast %broadcast_in_dim3A_0 : vector<16xf32> to vector<1x16xf32>
      tpu.vector_store %arg8[%swap3A_69, %swap3A_70], %swap3A_73 {strides = array<i32>} : memref<128x128xf32, #tpu.memory_space<vmem>>, vector<1x16xf32>,
      %scan3A_74 = arith.constant 0 : i32
      scf.yield %scan3A_74 : i32
    }
    %scan3A_6 = arith.constant 128 : i32
    %mul3A = arith.constant 632 : i32
    %mul3A_7 = arith.muli %arg1, %mul3A : i32
    %add3A = arith.constant 0 : i32
    %add3A_8 = arith.addi %mul3A_7, %add3A : i32
    "tpu.region"() ({
      %run_scoped3A = tpu.sem_alloc : memref<!tpu.dma_semaphore, #tpu.memory_space<semaphore_mem>>
      %dma_start3A = arith.constant 0 : i32
      %dma_start3A_33 = arith.constant 0 : i32
      %dma_start3A_34 = tpu.memref_slice %arg8[%dma_start3A, %dma_start3A_33] : memref<128x128xf32, #tpu.memory_space<vmem>> -> memref<128x128xf32, #tpu.memory_space<vmem>>
      %dma_start3A_35 = arith.constant 0 : i32
      %dma_start3A_36 = tpu.memref_slice %arg9[%add3A_8, %dma_start3A_35] : memref<10112x128xf32, #tpu.memory_space<vmem_shared>> -> memref<128x128xf32, #tpu.memory_space<vmem_shared>>
      %dma_start3A_37 = arith.constant 0 : i32
      %dma_start3A_38 = tpu.memref_slice %arg9[%add3A_8, %dma_start3A_37] : memref<10112x128xf32, #tpu.memory_space<vmem_shared>> -> memref<128x128xf32, #tpu.memory_space<vmem_shared>>
      %dma_start3A_39 = arith.constant 0 : i32
      %dma_start3A_40 = arith.constant 0 : i32
      %dma_start3A_41 = tpu.memref_slice %arg8[%dma_start3A_39, %dma_start3A_40] : memref<128x128xf32, #tpu.memory_space<vmem>> -> memref<128x128xf32, #tpu.memory_space<vmem>>
      tpu.enqueue_dma source(%dma_start3A_41 : memref<128x128xf32, #tpu.memory_space<vmem>>) target(%dma_start3A_38 : memref<128x128xf32, #tpu.memory_space<vmem_shared>>) target_semaphore(%run_scoped3A : memref<!tpu.dma_semaphore, #tpu.memory_space<semaphore_mem>>)
      %dma_wait3A = arith.constant 0 : i32
      %dma_wait3A_42 = arith.constant 0 : i32
      %dma_wait3A_43 = tpu.memref_slice %arg8[%dma_wait3A, %dma_wait3A_42] : memref<128x128xf32, #tpu.memory_space<vmem>> -> memref<128x128xf32, #tpu.memory_space<vmem>>
      %dma_wait3A_44 = arith.constant 0 : i32
      %dma_wait3A_45 = tpu.memref_slice %arg9[%add3A_8, %dma_wait3A_44] : memref<10112x128xf32, #tpu.memory_space<vmem_shared>> -> memref<128x128xf32, #tpu.memory_space<vmem_shared>>
      %dma_wait3A_46 = arith.constant 0 : i32
      %dma_wait3A_47 = tpu.memref_slice %arg9[%add3A_8, %dma_wait3A_46] : memref<10112x128xf32, #tpu.memory_space<vmem_shared>> -> memref<128x128xf32, #tpu.memory_space<vmem_shared>>
      %dma_wait3A_48 = arith.constant 0 : i32
      %dma_wait3A_49 = arith.constant 0 : i32
      %dma_wait3A_50 = tpu.memref_slice %arg8[%dma_wait3A_48, %dma_wait3A_49] : memref<128x128xf32, #tpu.memory_space<vmem>> -> memref<128x128xf32, #tpu.memory_space<vmem>>
      tpu.wait_dma2 semaphore(%run_scoped3A : memref<!tpu.dma_semaphore, #tpu.memory_space<semaphore_mem>>) src(%dma_wait3A_50 : memref<128x128xf32, #tpu.memory_space<vmem>>) dst(%dma_wait3A_47 : memref<128x128xf32, #tpu.memory_space<vmem_shared>>)
      tpu.yield
    }) : () -> ()
    %add3A_9 = arith.constant 128 : i32
    %add3A_10 = arith.addi %mul3A_7, %add3A_9 : i32
    "tpu.region"() ({
      %run_scoped3A = tpu.sem_alloc : memref<!tpu.dma_semaphore, #tpu.memory_space<semaphore_mem>>
      %dma_start3A = arith.constant 0 : i32
      %dma_start3A_33 = arith.constant 0 : i32
      %dma_start3A_34 = tpu.memref_slice %arg8[%dma_start3A, %dma_start3A_33] : memref<128x128xf32, #tpu.memory_space<vmem>> -> memref<128x128xf32, #tpu.memory_space<vmem>>
      %dma_start3A_35 = arith.constant 0 : i32
      %dma_start3A_36 = tpu.memref_slice %arg9[%add3A_10, %dma_start3A_35] : memref<10112x128xf32, #tpu.memory_space<vmem_shared>> -> memref<128x128xf32, #tpu.memory_space<vmem_shared>>
      %dma_start3A_37 = arith.constant 0 : i32
      %dma_start3A_38 = tpu.memref_slice %arg9[%add3A_10, %dma_start3A_37] : memref<10112x128xf32, #tpu.memory_space<vmem_shared>> -> memref<128x128xf32, #tpu.memory_space<vmem_shared>>
      %dma_start3A_39 = arith.constant 0 : i32
      %dma_start3A_40 = arith.constant 0 : i32
      %dma_start3A_41 = tpu.memref_slice %arg8[%dma_start3A_39, %dma_start3A_40] : memref<128x128xf32, #tpu.memory_space<vmem>> -> memref<128x128xf32, #tpu.memory_space<vmem>>
      tpu.enqueue_dma source(%dma_start3A_41 : memref<128x128xf32, #tpu.memory_space<vmem>>) target(%dma_start3A_38 : memref<128x128xf32, #tpu.memory_space<vmem_shared>>) target_semaphore(%run_scoped3A : memref<!tpu.dma_semaphore, #tpu.memory_space<semaphore_mem>>)
      %dma_wait3A = arith.constant 0 : i32
      %dma_wait3A_42 = arith.constant 0 : i32
      %dma_wait3A_43 = tpu.memref_slice %arg8[%dma_wait3A, %dma_wait3A_42] : memref<128x128xf32, #tpu.memory_space<vmem>> -> memref<128x128xf32, #tpu.memory_space<vmem>>
      %dma_wait3A_44 = arith.constant 0 : i32
      %dma_wait3A_45 = tpu.memref_slice %arg9[%add3A_10, %dma_wait3A_44] : memref<10112x128xf32, #tpu.memory_space<vmem_shared>> -> memref<128x128xf32, #tpu.memory_space<vmem_shared>>
      %dma_wait3A_46 = arith.constant 0 : i32
      %dma_wait3A_47 = tpu.memref_slice %arg9[%add3A_10, %dma_wait3A_46] : memref<10112x128xf32, #tpu.memory_space<vmem_shared>> -> memref<128x128xf32, #tpu.memory_space<vmem_shared>>
      %dma_wait3A_48 = arith.constant 0 : i32
      %dma_wait3A_49 = arith.constant 0 : i32
      %dma_wait3A_50 = tpu.memref_slice %arg8[%dma_wait3A_48, %dma_wait3A_49] : memref<128x128xf32, #tpu.memory_space<vmem>> -> memref<128x128xf32, #tpu.memory_space<vmem>>
      tpu.wait_dma2 semaphore(%run_scoped3A : memref<!tpu.dma_semaphore, #tpu.memory_space<semaphore_mem>>) src(%dma_wait3A_50 : memref<128x128xf32, #tpu.memory_space<vmem>>) dst(%dma_wait3A_47 : memref<128x128xf32, #tpu.memory_space<vmem_shared>>)
      tpu.yield
    }) : () -> ()
    %add3A_11 = arith.constant 256 : i32
    %add3A_12 = arith.addi %mul3A_7, %add3A_11 : i32
    "tpu.region"() ({
      %run_scoped3A = tpu.sem_alloc : memref<!tpu.dma_semaphore, #tpu.memory_space<semaphore_mem>>
      %dma_start3A = arith.constant 0 : i32
      %dma_start3A_33 = arith.constant 0 : i32
      %dma_start3A_34 = tpu.memref_slice %arg8[%dma_start3A, %dma_start3A_33] : memref<128x128xf32, #tpu.memory_space<vmem>> -> memref<128x128xf32, #tpu.memory_space<vmem>>
      %dma_start3A_35 = arith.constant 0 : i32
      %dma_start3A_36 = tpu.memref_slice %arg9[%add3A_12, %dma_start3A_35] : memref<10112x128xf32, #tpu.memory_space<vmem_shared>> -> memref<128x128xf32, #tpu.memory_space<vmem_shared>>
      %dma_start3A_37 = arith.constant 0 : i32
      %dma_start3A_38 = tpu.memref_slice %arg9[%add3A_12, %dma_start3A_37] : memref<10112x128xf32, #tpu.memory_space<vmem_shared>> -> memref<128x128xf32, #tpu.memory_space<vmem_shared>>
      %dma_start3A_39 = arith.constant 0 : i32
      %dma_start3A_40 = arith.constant 0 : i32
      %dma_start3A_41 = tpu.memref_slice %arg8[%dma_start3A_39, %dma_start3A_40] : memref<128x128xf32, #tpu.memory_space<vmem>> -> memref<128x128xf32, #tpu.memory_space<vmem>>
      tpu.enqueue_dma source(%dma_start3A_41 : memref<128x128xf32, #tpu.memory_space<vmem>>) target(%dma_start3A_38 : memref<128x128xf32, #tpu.memory_space<vmem_shared>>) target_semaphore(%run_scoped3A : memref<!tpu.dma_semaphore, #tpu.memory_space<semaphore_mem>>)
      %dma_wait3A = arith.constant 0 : i32
      %dma_wait3A_42 = arith.constant 0 : i32
      %dma_wait3A_43 = tpu.memref_slice %arg8[%dma_wait3A, %dma_wait3A_42] : memref<128x128xf32, #tpu.memory_space<vmem>> -> memref<128x128xf32, #tpu.memory_space<vmem>>
      %dma_wait3A_44 = arith.constant 0 : i32
      %dma_wait3A_45 = tpu.memref_slice %arg9[%add3A_12, %dma_wait3A_44] : memref<10112x128xf32, #tpu.memory_space<vmem_shared>> -> memref<128x128xf32, #tpu.memory_space<vmem_shared>>
      %dma_wait3A_46 = arith.constant 0 : i32
      %dma_wait3A_47 = tpu.memref_slice %arg9[%add3A_12, %dma_wait3A_46] : memref<10112x128xf32, #tpu.memory_space<vmem_shared>> -> memref<128x128xf32, #tpu.memory_space<vmem_shared>>
      %dma_wait3A_48 = arith.constant 0 : i32
      %dma_wait3A_49 = arith.constant 0 : i32
      %dma_wait3A_50 = tpu.memref_slice %arg8[%dma_wait3A_48, %dma_wait3A_49] : memref<128x128xf32, #tpu.memory_space<vmem>> -> memref<128x128xf32, #tpu.memory_space<vmem>>
      tpu.wait_dma2 semaphore(%run_scoped3A : memref<!tpu.dma_semaphore, #tpu.memory_space<semaphore_mem>>) src(%dma_wait3A_50 : memref<128x128xf32, #tpu.memory_space<vmem>>) dst(%dma_wait3A_47 : memref<128x128xf32, #tpu.memory_space<vmem_shared>>)
      tpu.yield
    }) : () -> ()
    %add3A_13 = arith.constant 384 : i32
    %add3A_14 = arith.addi %mul3A_7, %add3A_13 : i32
    "tpu.region"() ({
      %run_scoped3A = tpu.sem_alloc : memref<!tpu.dma_semaphore, #tpu.memory_space<semaphore_mem>>
      %dma_start3A = arith.constant 0 : i32
      %dma_start3A_33 = arith.constant 0 : i32
      %dma_start3A_34 = tpu.memref_slice %arg8[%dma_start3A, %dma_start3A_33] : memref<128x128xf32, #tpu.memory_space<vmem>> -> memref<128x128xf32, #tpu.memory_space<vmem>>
      %dma_start3A_35 = arith.constant 0 : i32
      %dma_start3A_36 = tpu.memref_slice %arg9[%add3A_14, %dma_start3A_35] : memref<10112x128xf32, #tpu.memory_space<vmem_shared>> -> memref<128x128xf32, #tpu.memory_space<vmem_shared>>
      %dma_start3A_37 = arith.constant 0 : i32
      %dma_start3A_38 = tpu.memref_slice %arg9[%add3A_14, %dma_start3A_37] : memref<10112x128xf32, #tpu.memory_space<vmem_shared>> -> memref<128x128xf32, #tpu.memory_space<vmem_shared>>
      %dma_start3A_39 = arith.constant 0 : i32
      %dma_start3A_40 = arith.constant 0 : i32
      %dma_start3A_41 = tpu.memref_slice %arg8[%dma_start3A_39, %dma_start3A_40] : memref<128x128xf32, #tpu.memory_space<vmem>> -> memref<128x128xf32, #tpu.memory_space<vmem>>
      tpu.enqueue_dma source(%dma_start3A_41 : memref<128x128xf32, #tpu.memory_space<vmem>>) target(%dma_start3A_38 : memref<128x128xf32, #tpu.memory_space<vmem_shared>>) target_semaphore(%run_scoped3A : memref<!tpu.dma_semaphore, #tpu.memory_space<semaphore_mem>>)
      %dma_wait3A = arith.constant 0 : i32
      %dma_wait3A_42 = arith.constant 0 : i32
      %dma_wait3A_43 = tpu.memref_slice %arg8[%dma_wait3A, %dma_wait3A_42] : memref<128x128xf32, #tpu.memory_space<vmem>> -> memref<128x128xf32, #tpu.memory_space<vmem>>
      %dma_wait3A_44 = arith.constant 0 : i32
      %dma_wait3A_45 = tpu.memref_slice %arg9[%add3A_14, %dma_wait3A_44] : memref<10112x128xf32, #tpu.memory_space<vmem_shared>> -> memref<128x128xf32, #tpu.memory_space<vmem_shared>>
      %dma_wait3A_46 = arith.constant 0 : i32
      %dma_wait3A_47 = tpu.memref_slice %arg9[%add3A_14, %dma_wait3A_46] : memref<10112x128xf32, #tpu.memory_space<vmem_shared>> -> memref<128x128xf32, #tpu.memory_space<vmem_shared>>
      %dma_wait3A_48 = arith.constant 0 : i32
      %dma_wait3A_49 = arith.constant 0 : i32
      %dma_wait3A_50 = tpu.memref_slice %arg8[%dma_wait3A_48, %dma_wait3A_49] : memref<128x128xf32, #tpu.memory_space<vmem>> -> memref<128x128xf32, #tpu.memory_space<vmem>>
      tpu.wait_dma2 semaphore(%run_scoped3A : memref<!tpu.dma_semaphore, #tpu.memory_space<semaphore_mem>>) src(%dma_wait3A_50 : memref<128x128xf32, #tpu.memory_space<vmem>>) dst(%dma_wait3A_47 : memref<128x128xf32, #tpu.memory_space<vmem_shared>>)
      tpu.yield
    }) : () -> ()
    %add3A_15 = arith.constant 512 : i32
    %add3A_16 = arith.addi %mul3A_7, %add3A_15 : i32
    "tpu.region"() ({
      %run_scoped3A = tpu.sem_alloc : memref<!tpu.dma_semaphore, #tpu.memory_space<semaphore_mem>>
      %dma_start3A = arith.constant 0 : i32
      %dma_start3A_33 = arith.constant 0 : i32
      %dma_start3A_34 = tpu.memref_slice %arg8[%dma_start3A, %dma_start3A_33] : memref<128x128xf32, #tpu.memory_space<vmem>> -> memref<120x128xf32, #tpu.memory_space<vmem>>
      %dma_start3A_35 = arith.constant 0 : i32
      %dma_start3A_36 = tpu.memref_slice %arg9[%add3A_16, %dma_start3A_35] : memref<10112x128xf32, #tpu.memory_space<vmem_shared>> -> memref<120x128xf32, #tpu.memory_space<vmem_shared>>
      %dma_start3A_37 = arith.constant 0 : i32
      %dma_start3A_38 = tpu.memref_slice %arg9[%add3A_16, %dma_start3A_37] : memref<10112x128xf32, #tpu.memory_space<vmem_shared>> -> memref<120x128xf32, #tpu.memory_space<vmem_shared>>
      %dma_start3A_39 = arith.constant 0 : i32
      %dma_start3A_40 = arith.constant 0 : i32
      %dma_start3A_41 = tpu.memref_slice %arg8[%dma_start3A_39, %dma_start3A_40] : memref<128x128xf32, #tpu.memory_space<vmem>> -> memref<120x128xf32, #tpu.memory_space<vmem>>
      tpu.enqueue_dma source(%dma_start3A_41 : memref<120x128xf32, #tpu.memory_space<vmem>>) target(%dma_start3A_38 : memref<120x128xf32, #tpu.memory_space<vmem_shared>>) target_semaphore(%run_scoped3A : memref<!tpu.dma_semaphore, #tpu.memory_space<semaphore_mem>>)
      %dma_wait3A = arith.constant 0 : i32
      %dma_wait3A_42 = arith.constant 0 : i32
      %dma_wait3A_43 = tpu.memref_slice %arg8[%dma_wait3A, %dma_wait3A_42] : memref<128x128xf32, #tpu.memory_space<vmem>> -> memref<120x128xf32, #tpu.memory_space<vmem>>
      %dma_wait3A_44 = arith.constant 0 : i32
      %dma_wait3A_45 = tpu.memref_slice %arg9[%add3A_16, %dma_wait3A_44] : memref<10112x128xf32, #tpu.memory_space<vmem_shared>> -> memref<120x128xf32, #tpu.memory_space<vmem_shared>>
      %dma_wait3A_46 = arith.constant 0 : i32
      %dma_wait3A_47 = tpu.memref_slice %arg9[%add3A_16, %dma_wait3A_46] : memref<10112x128xf32, #tpu.memory_space<vmem_shared>> -> memref<120x128xf32, #tpu.memory_space<vmem_shared>>
      %dma_wait3A_48 = arith.constant 0 : i32
      %dma_wait3A_49 = arith.constant 0 : i32
      %dma_wait3A_50 = tpu.memref_slice %arg8[%dma_wait3A_48, %dma_wait3A_49] : memref<128x128xf32, #tpu.memory_space<vmem>> -> memref<120x128xf32, #tpu.memory_space<vmem>>
      tpu.wait_dma2 semaphore(%run_scoped3A : memref<!tpu.dma_semaphore, #tpu.memory_space<semaphore_mem>>) src(%dma_wait3A_50 : memref<120x128xf32, #tpu.memory_space<vmem>>) dst(%dma_wait3A_47 : memref<120x128xf32, #tpu.memory_space<vmem_shared>>)
      tpu.yield
    }) : () -> ()
    %barrier3A = arith.constant 0 : index
    tpu.barrier barrier_id(%barrier3A)
    %mul3A_17 = arith.constant 16 : i32
    %mul3A_18 = arith.muli %arg0, %mul3A_17 : i32
    %add3A_19 = arith.addi %mul3A_18, %arg1 : i32
    %mul3A_20 = arith.constant 10112 : i32
    %mul3A_21 = arith.muli %add3A_19, %mul3A_20 : i32
    %scan3A_22 = arith.constant 0 : i32
    %scan3A_23 = arith.constant 0 : i32
    %scan3A_24 = arith.constant 79 : i32
    %scan3A_25 = arith.addi %scan3A_23, %scan3A_24 : i32
    %scan3A_26 = arith.constant 1 : i32
    %scan3A_27 = scf.for %scan3A_33 = %scan3A_23 to %scan3A_25 step %scan3A_26 iter_args(%scan3A_34 = %scan3A_22) -> (i32)  : i32 {
      %mul3A_35 = arith.constant 128 : i32
      %mul3A_36 = arith.muli %scan3A_33, %mul3A_35 : i32
      %add3A_37 = arith.addi %mul3A_21, %mul3A_36 : i32
      "tpu.region"() ({
        %run_scoped3A = tpu.sem_alloc : memref<!tpu.dma_semaphore, #tpu.memory_space<semaphore_mem>>
        %dma_start3A_43 = tpu.memref_slice %arg3[%add3A_37] : memref<323584xi32, #tpu.memory_space<hbm>> -> memref<128xi32, #tpu.memory_space<hbm>>
        %dma_start3A_44 = tpu.memref_slice %arg3[%add3A_37] : memref<323584xi32, #tpu.memory_space<hbm>> -> memref<128xi32, #tpu.memory_space<hbm>>
        tpu.enqueue_dma source(%dma_start3A_44 : memref<128xi32, #tpu.memory_space<hbm>>) target(%arg6 : memref<128xi32, #tpu.memory_space<vmem>>) target_semaphore(%run_scoped3A : memref<!tpu.dma_semaphore, #tpu.memory_space<semaphore_mem>>)
        %dma_wait3A_45 = tpu.memref_slice %arg3[%add3A_37] : memref<323584xi32, #tpu.memory_space<hbm>> -> memref<128xi32, #tpu.memory_space<hbm>>
        %dma_wait3A_46 = tpu.memref_slice %arg3[%add3A_37] : memref<323584xi32, #tpu.memory_space<hbm>> -> memref<128xi32, #tpu.memory_space<hbm>>
        tpu.wait_dma2 semaphore(%run_scoped3A : memref<!tpu.dma_semaphore, #tpu.memory_space<semaphore_mem>>) src(%dma_wait3A_46 : memref<128xi32, #tpu.memory_space<hbm>>) dst(%arg6 : memref<128xi32, #tpu.memory_space<vmem>>)
        tpu.yield
      }) : () -> ()
      "tpu.region"() ({
        %run_scoped3A = tpu.sem_alloc : memref<!tpu.dma_semaphore, #tpu.memory_space<semaphore_mem>>
        %dma_start3A_43 = tpu.memref_slice %arg4[%add3A_37] : memref<323584xi32, #tpu.memory_space<hbm>> -> memref<128xi32, #tpu.memory_space<hbm>>
        %dma_start3A_44 = tpu.memref_slice %arg4[%add3A_37] : memref<323584xi32, #tpu.memory_space<hbm>> -> memref<128xi32, #tpu.memory_space<hbm>>
        tpu.enqueue_dma source(%dma_start3A_44 : memref<128xi32, #tpu.memory_space<hbm>>) target(%arg7 : memref<128xi32, #tpu.memory_space<vmem>>) target_semaphore(%run_scoped3A : memref<!tpu.dma_semaphore, #tpu.memory_space<semaphore_mem>>)
        %dma_wait3A_45 = tpu.memref_slice %arg4[%add3A_37] : memref<323584xi32, #tpu.memory_space<hbm>> -> memref<128xi32, #tpu.memory_space<hbm>>
        %dma_wait3A_46 = tpu.memref_slice %arg4[%add3A_37] : memref<323584xi32, #tpu.memory_space<hbm>> -> memref<128xi32, #tpu.memory_space<hbm>>
        tpu.wait_dma2 semaphore(%run_scoped3A : memref<!tpu.dma_semaphore, #tpu.memory_space<semaphore_mem>>) src(%dma_wait3A_46 : memref<128xi32, #tpu.memory_space<hbm>>) dst(%arg7 : memref<128xi32, #tpu.memory_space<vmem>>)
        tpu.yield
      }) : () -> ()
      %dma_start3A = arith.constant 0 : i32
      %dma_start3A_38 = arith.constant 0 : i32
      %dma_start3A_39 = tpu.memref_slice %arg2[%dma_start3A, %dma_start3A_38] : memref<10000x128xf32, #tpu.memory_space<hbm>> -> memref<10000x128xf32, #tpu.memory_space<hbm>>
      tpu.enqueue_indirect_dma source(%dma_start3A_39 : memref<10000x128xf32, #tpu.memory_space<hbm>>) target(%arg8 : memref<128x128xf32, #tpu.memory_space<vmem>>) offsets(%arg6 : memref<128xi32, #tpu.memory_space<vmem>>) semaphore(%arg10 : memref<!tpu.dma_semaphore, #tpu.memory_space<semaphore_mem>>)
      %dma_wait3A = arith.constant 0 : i32
      %dma_wait3A_40 = arith.constant 0 : i32
      %dma_wait3A_41 = tpu.memref_slice %arg2[%dma_wait3A, %dma_wait3A_40] : memref<10000x128xf32, #tpu.memory_space<hbm>> -> memref<10000x128xf32, #tpu.memory_space<hbm>>
      tpu.wait_indirect_dma semaphore(%arg10 : memref<!tpu.dma_semaphore, #tpu.memory_space<semaphore_mem>>) src(%dma_wait3A_41 : memref<10000x128xf32, #tpu.memory_space<hbm>>) dst(%arg8 : memref<128x128xf32, #tpu.memory_space<vmem>>)
      "tpu.region"() ({
        %run_scoped3A = tpu.sem_alloc : memref<!tpu.dma_semaphore, #tpu.memory_space<semaphore_mem>>
        %dma_start3A_43 = arith.constant 0 : i32
        %dma_start3A_44 = arith.constant 0 : i32
        %dma_start3A_45 = tpu.memref_slice %arg9[%dma_start3A_43, %dma_start3A_44] : memref<10112x128xf32, #tpu.memory_space<vmem_shared>> -> memref<10112x128xf32, #tpu.memory_space<vmem_shared>>
        tpu.enqueue_indirect_dma source(%arg8 : memref<128x128xf32, #tpu.memory_space<vmem>>) target(%dma_start3A_45 : memref<10112x128xf32, #tpu.memory_space<vmem_shared>>) offsets(%arg7 : memref<128xi32, #tpu.memory_space<vmem>>) semaphore(%run_scoped3A : memref<!tpu.dma_semaphore, #tpu.memory_space<semaphore_mem>>) {add = true}
        %dma_wait3A_46 = arith.constant 0 : i32
        %dma_wait3A_47 = arith.constant 0 : i32
        %dma_wait3A_48 = tpu.memref_slice %arg9[%dma_wait3A_46, %dma_wait3A_47] : memref<10112x128xf32, #tpu.memory_space<vmem_shared>> -> memref<10112x128xf32, #tpu.memory_space<vmem_shared>>
        tpu.wait_indirect_dma semaphore(%run_scoped3A : memref<!tpu.dma_semaphore, #tpu.memory_space<semaphore_mem>>) src(%arg8 : memref<128x128xf32, #tpu.memory_space<vmem>>) dst(%dma_wait3A_48 : memref<10112x128xf32, #tpu.memory_space<vmem_shared>>)
        tpu.yield
      }) : () -> ()
      %scan3A_42 = arith.constant 0 : i32
      scf.yield %scan3A_42 : i32
    }
    %scan3A_28 = arith.constant 79 : i32
    %barrier3A_29 = arith.constant 0 : index
    tpu.barrier barrier_id(%barrier3A_29)
    %mul3A_30 = arith.constant 10112 : i32
    %mul3A_31 = arith.muli %arg0, %mul3A_30 : i32
    %add3A_32 = arith.addi %mul3A_31, %mul3A_7 : i32
    "tpu.region"() ({
      %run_scoped3A = tpu.sem_alloc : memref<!tpu.dma_semaphore, #tpu.memory_space<semaphore_mem>>
      %dma_start3A = arith.constant 0 : i32
      %dma_start3A_33 = tpu.memref_slice %arg5[%add3A_32, %dma_start3A] : memref<20224x128xf32, #tpu.memory_space<hbm>> -> memref<632x128xf32, #tpu.memory_space<hbm>>
      %dma_start3A_34 = arith.constant 0 : i32
      %dma_start3A_35 = tpu.memref_slice %arg9[%mul3A_7, %dma_start3A_34] : memref<10112x128xf32, #tpu.memory_space<vmem_shared>> -> memref<632x128xf32, #tpu.memory_space<vmem_shared>>
      tpu.enqueue_dma source(%dma_start3A_35 : memref<632x128xf32, #tpu.memory_space<vmem_shared>>) target(%dma_start3A_33 : memref<632x128xf32, #tpu.memory_space<hbm>>) target_semaphore(%run_scoped3A : memref<!tpu.dma_semaphore, #tpu.memory_space<semaphore_mem>>)
      %dma_wait3A = arith.constant 0 : i32
      %dma_wait3A_36 = tpu.memref_slice %arg5[%add3A_32, %dma_wait3A] : memref<20224x128xf32, #tpu.memory_space<hbm>> -> memref<632x128xf32, #tpu.memory_space<hbm>>
      %dma_wait3A_37 = arith.constant 0 : i32
      %dma_wait3A_38 = tpu.memref_slice %arg9[%mul3A_7, %dma_wait3A_37] : memref<10112x128xf32, #tpu.memory_space<vmem_shared>> -> memref<632x128xf32, #tpu.memory_space<vmem_shared>>
      tpu.wait_dma2 semaphore(%run_scoped3A : memref<!tpu.dma_semaphore, #tpu.memory_space<semaphore_mem>>) src(%dma_wait3A_38 : memref<632x128xf32, #tpu.memory_space<vmem_shared>>) dst(%dma_wait3A_36 : memref<632x128xf32, #tpu.memory_space<hbm>>)
      tpu.yield
    }) : () -> ()
    return
  }
}

#map = affine_map<(d0, d1) -> (0, 0)>
#map1 = affine_map<(d0, d1) -> (0)>
module attributes {stable_mosaic.version = 14 : i64} {
  func.func @body(%arg0: i32, %arg1: i32, %arg2: memref<10000x128xf32, #tpu.memory_space<hbm>>, %arg3: memref<323584xi32, #tpu.memory_space<hbm>>, %arg4: memref<323584xi32, #tpu.memory_space<hbm>>, %arg5: memref<20224x128xf32, #tpu.memory_space<hbm>>, %arg6: memref<128xi32, #tpu.memory_space<vmem>>, %arg7: memref<128xi32, #tpu.memory_space<vmem>>, %arg8: memref<128x128xf32, #tpu.memory_space<vmem>>, %arg9: memref<10112x128xf32, #tpu.memory_space<vmem_shared>>, %arg10: memref<!tpu.dma_semaphore, #tpu.memory_space<semaphore_mem>>) attributes {dimension_semantics = [#tpu.dimension_semantics<core_parallel>, #tpu.dimension_semantics<subcore_parallel>], iteration_bounds = array<i64: 2, 16>, scalar_prefetch = 0 : i64, scratch_operands = 5 : i64, tpu.core_type = #tpu.core_type<sc_vector_subcore>, window_params = [{transform_indices = #map}, {transform_indices = #map1}, {transform_indices = #map1}, {transform_indices = #map}]} {
    %broadcast_in_dim3A = arith.constant 0.000000e+00 : f32
    %broadcast_in_dim3A_0 = vector.broadcast %broadcast_in_dim3A : f32 to vector<16xf32>
    %scan3A = arith.constant 0 : i32
    %scan3A_1 = arith.constant 0 : i32
    %scan3A_2 = arith.constant 128 : i32
    %scan3A_3 = arith.addi %scan3A_1, %scan3A_2 : i32
    %scan3A_4 = arith.constant 1 : i32
    %scan3A_5 = scf.for %scan3A_33 = %scan3A_1 to %scan3A_3 step %scan3A_4 iter_args(%scan3A_34 = %scan3A) -> (i32)  : i32 {
      %swap3A = arith.index_cast %scan3A_33 : i32 to index
      %swap3A_35 = arith.constant 0 : index
      %swap3A_36 = tpu.vector_load %arg8[%swap3A, %swap3A_35] {strides = array<i32>} : memref<128x128xf32, #tpu.memory_space<vmem>>, vector<1x16xf32>,
      %swap3A_37 = vector.shape_cast %swap3A_36 : vector<1x16xf32> to vector<16xf32>
      %swap3A_38 = vector.shape_cast %broadcast_in_dim3A_0 : vector<16xf32> to vector<1x16xf32>
      tpu.vector_store %arg8[%swap3A, %swap3A_35], %swap3A_38 {strides = array<i32>} : memref<128x128xf32, #tpu.memory_space<vmem>>, vector<1x16xf32>,
      %swap3A_39 = arith.index_cast %scan3A_33 : i32 to index
      %swap3A_40 = arith.constant 16 : index
      %swap3A_41 = tpu.vector_load %arg8[%swap3A_39, %swap3A_40] {strides = array<i32>} : memref<128x128xf32, #tpu.memory_space<vmem>>, vector<1x16xf32>,
      %swap3A_42 = vector.shape_cast %swap3A_41 : vector<1x16xf32> to vector<16xf32>
      %swap3A_43 = vector.shape_cast %broadcast_in_dim3A_0 : vector<16xf32> to vector<1x16xf32>
      tpu.vector_store %arg8[%swap3A_39, %swap3A_40], %swap3A_43 {strides = array<i32>} : memref<128x128xf32, #tpu.memory_space<vmem>>, vector<1x16xf32>,
      %swap3A_44 = arith.index_cast %scan3A_33 : i32 to index
      %swap3A_45 = arith.constant 32 : index
      %swap3A_46 = tpu.vector_load %arg8[%swap3A_44, %swap3A_45] {strides = array<i32>} : memref<128x128xf32, #tpu.memory_space<vmem>>, vector<1x16xf32>,
      %swap3A_47 = vector.shape_cast %swap3A_46 : vector<1x16xf32> to vector<16xf32>
      %swap3A_48 = vector.shape_cast %broadcast_in_dim3A_0 : vector<16xf32> to vector<1x16xf32>
      tpu.vector_store %arg8[%swap3A_44, %swap3A_45], %swap3A_48 {strides = array<i32>} : memref<128x128xf32, #tpu.memory_space<vmem>>, vector<1x16xf32>,
      %swap3A_49 = arith.index_cast %scan3A_33 : i32 to index
      %swap3A_50 = arith.constant 48 : index
      %swap3A_51 = tpu.vector_load %arg8[%swap3A_49, %swap3A_50] {strides = array<i32>} : memref<128x128xf32, #tpu.memory_space<vmem>>, vector<1x16xf32>,
      %swap3A_52 = vector.shape_cast %swap3A_51 : vector<1x16xf32> to vector<16xf32>
      %swap3A_53 = vector.shape_cast %broadcast_in_dim3A_0 : vector<16xf32> to vector<1x16xf32>
      tpu.vector_store %arg8[%swap3A_49, %swap3A_50], %swap3A_53 {strides = array<i32>} : memref<128x128xf32, #tpu.memory_space<vmem>>, vector<1x16xf32>,
      %swap3A_54 = arith.index_cast %scan3A_33 : i32 to index
      %swap3A_55 = arith.constant 64 : index
      %swap3A_56 = tpu.vector_load %arg8[%swap3A_54, %swap3A_55] {strides = array<i32>} : memref<128x128xf32, #tpu.memory_space<vmem>>, vector<1x16xf32>,
      %swap3A_57 = vector.shape_cast %swap3A_56 : vector<1x16xf32> to vector<16xf32>
      %swap3A_58 = vector.shape_cast %broadcast_in_dim3A_0 : vector<16xf32> to vector<1x16xf32>
      tpu.vector_store %arg8[%swap3A_54, %swap3A_55], %swap3A_58 {strides = array<i32>} : memref<128x128xf32, #tpu.memory_space<vmem>>, vector<1x16xf32>,
      %swap3A_59 = arith.index_cast %scan3A_33 : i32 to index
      %swap3A_60 = arith.constant 80 : index
      %swap3A_61 = tpu.vector_load %arg8[%swap3A_59, %swap3A_60] {strides = array<i32>} : memref<128x128xf32, #tpu.memory_space<vmem>>, vector<1x16xf32>,
      %swap3A_62 = vector.shape_cast %swap3A_61 : vector<1x16xf32> to vector<16xf32>
      %swap3A_63 = vector.shape_cast %broadcast_in_dim3A_0 : vector<16xf32> to vector<1x16xf32>
      tpu.vector_store %arg8[%swap3A_59, %swap3A_60], %swap3A_63 {strides = array<i32>} : memref<128x128xf32, #tpu.memory_space<vmem>>, vector<1x16xf32>,
      %swap3A_64 = arith.index_cast %scan3A_33 : i32 to index
      %swap3A_65 = arith.constant 96 : index
      %swap3A_66 = tpu.vector_load %arg8[%swap3A_64, %swap3A_65] {strides = array<i32>} : memref<128x128xf32, #tpu.memory_space<vmem>>, vector<1x16xf32>,
      %swap3A_67 = vector.shape_cast %swap3A_66 : vector<1x16xf32> to vector<16xf32>
      %swap3A_68 = vector.shape_cast %broadcast_in_dim3A_0 : vector<16xf32> to vector<1x16xf32>
      tpu.vector_store %arg8[%swap3A_64, %swap3A_65], %swap3A_68 {strides = array<i32>} : memref<128x128xf32, #tpu.memory_space<vmem>>, vector<1x16xf32>,
      %swap3A_69 = arith.index_cast %scan3A_33 : i32 to index
      %swap3A_70 = arith.constant 112 : index
      %swap3A_71 = tpu.vector_load %arg8[%swap3A_69, %swap3A_70] {strides = array<i32>} : memref<128x128xf32, #tpu.memory_space<vmem>>, vector<1x16xf32>,
      %swap3A_72 = vector.shape_cast %swap3A_71 : vector<1x16xf32> to vector<16xf32>
      %swap3A_73 = vector.shape_cast %broadcast_in_dim3A_0 : vector<16xf32> to vector<1x16xf32>
      tpu.vector_store %arg8[%swap3A_69, %swap3A_70], %swap3A_73 {strides = array<i32>} : memref<128x128xf32, #tpu.memory_space<vmem>>, vector<1x16xf32>,
      %scan3A_74 = arith.constant 0 : i32
      scf.yield %scan3A_74 : i32
    }
    %scan3A_6 = arith.constant 128 : i32
    %mul3A = arith.constant 632 : i32
    %mul3A_7 = arith.muli %arg1, %mul3A : i32
    %add3A = arith.constant 0 : i32
    %add3A_8 = arith.addi %mul3A_7, %add3A : i32
    "tpu.region"() ({
      %run_scoped3A = tpu.sem_alloc : memref<!tpu.dma_semaphore, #tpu.memory_space<semaphore_mem>>
      %dma_start3A = arith.constant 0 : i32
      %dma_start3A_33 = arith.constant 0 : i32
      %dma_start3A_34 = tpu.memref_slice %arg8[%dma_start3A, %dma_start3A_33] : memref<128x128xf32, #tpu.memory_space<vmem>> -> memref<128x128xf32, #tpu.memory_space<vmem>>
      %dma_start3A_35 = arith.constant 0 : i32
      %dma_start3A_36 = tpu.memref_slice %arg9[%add3A_8, %dma_start3A_35] : memref<10112x128xf32, #tpu.memory_space<vmem_shared>> -> memref<128x128xf32, #tpu.memory_space<vmem_shared>>
      %dma_start3A_37 = arith.constant 0 : i32
      %dma_start3A_38 = tpu.memref_slice %arg9[%add3A_8, %dma_start3A_37] : memref<10112x128xf32, #tpu.memory_space<vmem_shared>> -> memref<128x128xf32, #tpu.memory_space<vmem_shared>>
      %dma_start3A_39 = arith.constant 0 : i32
      %dma_start3A_40 = arith.constant 0 : i32
      %dma_start3A_41 = tpu.memref_slice %arg8[%dma_start3A_39, %dma_start3A_40] : memref<128x128xf32, #tpu.memory_space<vmem>> -> memref<128x128xf32, #tpu.memory_space<vmem>>
      tpu.enqueue_dma source(%dma_start3A_41 : memref<128x128xf32, #tpu.memory_space<vmem>>) target(%dma_start3A_38 : memref<128x128xf32, #tpu.memory_space<vmem_shared>>) target_semaphore(%run_scoped3A : memref<!tpu.dma_semaphore, #tpu.memory_space<semaphore_mem>>)
      %dma_wait3A = arith.constant 0 : i32
      %dma_wait3A_42 = arith.constant 0 : i32
      %dma_wait3A_43 = tpu.memref_slice %arg8[%dma_wait3A, %dma_wait3A_42] : memref<128x128xf32, #tpu.memory_space<vmem>> -> memref<128x128xf32, #tpu.memory_space<vmem>>
      %dma_wait3A_44 = arith.constant 0 : i32
      %dma_wait3A_45 = tpu.memref_slice %arg9[%add3A_8, %dma_wait3A_44] : memref<10112x128xf32, #tpu.memory_space<vmem_shared>> -> memref<128x128xf32, #tpu.memory_space<vmem_shared>>
      %dma_wait3A_46 = arith.constant 0 : i32
      %dma_wait3A_47 = tpu.memref_slice %arg9[%add3A_8, %dma_wait3A_46] : memref<10112x128xf32, #tpu.memory_space<vmem_shared>> -> memref<128x128xf32, #tpu.memory_space<vmem_shared>>
      %dma_wait3A_48 = arith.constant 0 : i32
      %dma_wait3A_49 = arith.constant 0 : i32
      %dma_wait3A_50 = tpu.memref_slice %arg8[%dma_wait3A_48, %dma_wait3A_49] : memref<128x128xf32, #tpu.memory_space<vmem>> -> memref<128x128xf32, #tpu.memory_space<vmem>>
      tpu.wait_dma2 semaphore(%run_scoped3A : memref<!tpu.dma_semaphore, #tpu.memory_space<semaphore_mem>>) src(%dma_wait3A_50 : memref<128x128xf32, #tpu.memory_space<vmem>>) dst(%dma_wait3A_47 : memref<128x128xf32, #tpu.memory_space<vmem_shared>>)
      tpu.yield
    }) : () -> ()
    %add3A_9 = arith.constant 128 : i32
    %add3A_10 = arith.addi %mul3A_7, %add3A_9 : i32
    "tpu.region"() ({
      %run_scoped3A = tpu.sem_alloc : memref<!tpu.dma_semaphore, #tpu.memory_space<semaphore_mem>>
      %dma_start3A = arith.constant 0 : i32
      %dma_start3A_33 = arith.constant 0 : i32
      %dma_start3A_34 = tpu.memref_slice %arg8[%dma_start3A, %dma_start3A_33] : memref<128x128xf32, #tpu.memory_space<vmem>> -> memref<128x128xf32, #tpu.memory_space<vmem>>
      %dma_start3A_35 = arith.constant 0 : i32
      %dma_start3A_36 = tpu.memref_slice %arg9[%add3A_10, %dma_start3A_35] : memref<10112x128xf32, #tpu.memory_space<vmem_shared>> -> memref<128x128xf32, #tpu.memory_space<vmem_shared>>
      %dma_start3A_37 = arith.constant 0 : i32
      %dma_start3A_38 = tpu.memref_slice %arg9[%add3A_10, %dma_start3A_37] : memref<10112x128xf32, #tpu.memory_space<vmem_shared>> -> memref<128x128xf32, #tpu.memory_space<vmem_shared>>
      %dma_start3A_39 = arith.constant 0 : i32
      %dma_start3A_40 = arith.constant 0 : i32
      %dma_start3A_41 = tpu.memref_slice %arg8[%dma_start3A_39, %dma_start3A_40] : memref<128x128xf32, #tpu.memory_space<vmem>> -> memref<128x128xf32, #tpu.memory_space<vmem>>
      tpu.enqueue_dma source(%dma_start3A_41 : memref<128x128xf32, #tpu.memory_space<vmem>>) target(%dma_start3A_38 : memref<128x128xf32, #tpu.memory_space<vmem_shared>>) target_semaphore(%run_scoped3A : memref<!tpu.dma_semaphore, #tpu.memory_space<semaphore_mem>>)
      %dma_wait3A = arith.constant 0 : i32
      %dma_wait3A_42 = arith.constant 0 : i32
      %dma_wait3A_43 = tpu.memref_slice %arg8[%dma_wait3A, %dma_wait3A_42] : memref<128x128xf32, #tpu.memory_space<vmem>> -> memref<128x128xf32, #tpu.memory_space<vmem>>
      %dma_wait3A_44 = arith.constant 0 : i32
      %dma_wait3A_45 = tpu.memref_slice %arg9[%add3A_10, %dma_wait3A_44] : memref<10112x128xf32, #tpu.memory_space<vmem_shared>> -> memref<128x128xf32, #tpu.memory_space<vmem_shared>>
      %dma_wait3A_46 = arith.constant 0 : i32
      %dma_wait3A_47 = tpu.memref_slice %arg9[%add3A_10, %dma_wait3A_46] : memref<10112x128xf32, #tpu.memory_space<vmem_shared>> -> memref<128x128xf32, #tpu.memory_space<vmem_shared>>
      %dma_wait3A_48 = arith.constant 0 : i32
      %dma_wait3A_49 = arith.constant 0 : i32
      %dma_wait3A_50 = tpu.memref_slice %arg8[%dma_wait3A_48, %dma_wait3A_49] : memref<128x128xf32, #tpu.memory_space<vmem>> -> memref<128x128xf32, #tpu.memory_space<vmem>>
      tpu.wait_dma2 semaphore(%run_scoped3A : memref<!tpu.dma_semaphore, #tpu.memory_space<semaphore_mem>>) src(%dma_wait3A_50 : memref<128x128xf32, #tpu.memory_space<vmem>>) dst(%dma_wait3A_47 : memref<128x128xf32, #tpu.memory_space<vmem_shared>>)
      tpu.yield
    }) : () -> ()
    %add3A_11 = arith.constant 256 : i32
    %add3A_12 = arith.addi %mul3A_7, %add3A_11 : i32
    "tpu.region"() ({
      %run_scoped3A = tpu.sem_alloc : memref<!tpu.dma_semaphore, #tpu.memory_space<semaphore_mem>>
      %dma_start3A = arith.constant 0 : i32
      %dma_start3A_33 = arith.constant 0 : i32
      %dma_start3A_34 = tpu.memref_slice %arg8[%dma_start3A, %dma_start3A_33] : memref<128x128xf32, #tpu.memory_space<vmem>> -> memref<128x128xf32, #tpu.memory_space<vmem>>
      %dma_start3A_35 = arith.constant 0 : i32
      %dma_start3A_36 = tpu.memref_slice %arg9[%add3A_12, %dma_start3A_35] : memref<10112x128xf32, #tpu.memory_space<vmem_shared>> -> memref<128x128xf32, #tpu.memory_space<vmem_shared>>
      %dma_start3A_37 = arith.constant 0 : i32
      %dma_start3A_38 = tpu.memref_slice %arg9[%add3A_12, %dma_start3A_37] : memref<10112x128xf32, #tpu.memory_space<vmem_shared>> -> memref<128x128xf32, #tpu.memory_space<vmem_shared>>
      %dma_start3A_39 = arith.constant 0 : i32
      %dma_start3A_40 = arith.constant 0 : i32
      %dma_start3A_41 = tpu.memref_slice %arg8[%dma_start3A_39, %dma_start3A_40] : memref<128x128xf32, #tpu.memory_space<vmem>> -> memref<128x128xf32, #tpu.memory_space<vmem>>
      tpu.enqueue_dma source(%dma_start3A_41 : memref<128x128xf32, #tpu.memory_space<vmem>>) target(%dma_start3A_38 : memref<128x128xf32, #tpu.memory_space<vmem_shared>>) target_semaphore(%run_scoped3A : memref<!tpu.dma_semaphore, #tpu.memory_space<semaphore_mem>>)
      %dma_wait3A = arith.constant 0 : i32
      %dma_wait3A_42 = arith.constant 0 : i32
      %dma_wait3A_43 = tpu.memref_slice %arg8[%dma_wait3A, %dma_wait3A_42] : memref<128x128xf32, #tpu.memory_space<vmem>> -> memref<128x128xf32, #tpu.memory_space<vmem>>
      %dma_wait3A_44 = arith.constant 0 : i32
      %dma_wait3A_45 = tpu.memref_slice %arg9[%add3A_12, %dma_wait3A_44] : memref<10112x128xf32, #tpu.memory_space<vmem_shared>> -> memref<128x128xf32, #tpu.memory_space<vmem_shared>>
      %dma_wait3A_46 = arith.constant 0 : i32
      %dma_wait3A_47 = tpu.memref_slice %arg9[%add3A_12, %dma_wait3A_46] : memref<10112x128xf32, #tpu.memory_space<vmem_shared>> -> memref<128x128xf32, #tpu.memory_space<vmem_shared>>
      %dma_wait3A_48 = arith.constant 0 : i32
      %dma_wait3A_49 = arith.constant 0 : i32
      %dma_wait3A_50 = tpu.memref_slice %arg8[%dma_wait3A_48, %dma_wait3A_49] : memref<128x128xf32, #tpu.memory_space<vmem>> -> memref<128x128xf32, #tpu.memory_space<vmem>>
      tpu.wait_dma2 semaphore(%run_scoped3A : memref<!tpu.dma_semaphore, #tpu.memory_space<semaphore_mem>>) src(%dma_wait3A_50 : memref<128x128xf32, #tpu.memory_space<vmem>>) dst(%dma_wait3A_47 : memref<128x128xf32, #tpu.memory_space<vmem_shared>>)
      tpu.yield
    }) : () -> ()
    %add3A_13 = arith.constant 384 : i32
    %add3A_14 = arith.addi %mul3A_7, %add3A_13 : i32
    "tpu.region"() ({
      %run_scoped3A = tpu.sem_alloc : memref<!tpu.dma_semaphore, #tpu.memory_space<semaphore_mem>>
      %dma_start3A = arith.constant 0 : i32
      %dma_start3A_33 = arith.constant 0 : i32
      %dma_start3A_34 = tpu.memref_slice %arg8[%dma_start3A, %dma_start3A_33] : memref<128x128xf32, #tpu.memory_space<vmem>> -> memref<128x128xf32, #tpu.memory_space<vmem>>
      %dma_start3A_35 = arith.constant 0 : i32
      %dma_start3A_36 = tpu.memref_slice %arg9[%add3A_14, %dma_start3A_35] : memref<10112x128xf32, #tpu.memory_space<vmem_shared>> -> memref<128x128xf32, #tpu.memory_space<vmem_shared>>
      %dma_start3A_37 = arith.constant 0 : i32
      %dma_start3A_38 = tpu.memref_slice %arg9[%add3A_14, %dma_start3A_37] : memref<10112x128xf32, #tpu.memory_space<vmem_shared>> -> memref<128x128xf32, #tpu.memory_space<vmem_shared>>
      %dma_start3A_39 = arith.constant 0 : i32
      %dma_start3A_40 = arith.constant 0 : i32
      %dma_start3A_41 = tpu.memref_slice %arg8[%dma_start3A_39, %dma_start3A_40] : memref<128x128xf32, #tpu.memory_space<vmem>> -> memref<128x128xf32, #tpu.memory_space<vmem>>
      tpu.enqueue_dma source(%dma_start3A_41 : memref<128x128xf32, #tpu.memory_space<vmem>>) target(%dma_start3A_38 : memref<128x128xf32, #tpu.memory_space<vmem_shared>>) target_semaphore(%run_scoped3A : memref<!tpu.dma_semaphore, #tpu.memory_space<semaphore_mem>>)
      %dma_wait3A = arith.constant 0 : i32
      %dma_wait3A_42 = arith.constant 0 : i32
      %dma_wait3A_43 = tpu.memref_slice %arg8[%dma_wait3A, %dma_wait3A_42] : memref<128x128xf32, #tpu.memory_space<vmem>> -> memref<128x128xf32, #tpu.memory_space<vmem>>
      %dma_wait3A_44 = arith.constant 0 : i32
      %dma_wait3A_45 = tpu.memref_slice %arg9[%add3A_14, %dma_wait3A_44] : memref<10112x128xf32, #tpu.memory_space<vmem_shared>> -> memref<128x128xf32, #tpu.memory_space<vmem_shared>>
      %dma_wait3A_46 = arith.constant 0 : i32
      %dma_wait3A_47 = tpu.memref_slice %arg9[%add3A_14, %dma_wait3A_46] : memref<10112x128xf32, #tpu.memory_space<vmem_shared>> -> memref<128x128xf32, #tpu.memory_space<vmem_shared>>
      %dma_wait3A_48 = arith.constant 0 : i32
      %dma_wait3A_49 = arith.constant 0 : i32
      %dma_wait3A_50 = tpu.memref_slice %arg8[%dma_wait3A_48, %dma_wait3A_49] : memref<128x128xf32, #tpu.memory_space<vmem>> -> memref<128x128xf32, #tpu.memory_space<vmem>>
      tpu.wait_dma2 semaphore(%run_scoped3A : memref<!tpu.dma_semaphore, #tpu.memory_space<semaphore_mem>>) src(%dma_wait3A_50 : memref<128x128xf32, #tpu.memory_space<vmem>>) dst(%dma_wait3A_47 : memref<128x128xf32, #tpu.memory_space<vmem_shared>>)
      tpu.yield
    }) : () -> ()
    %add3A_15 = arith.constant 512 : i32
    %add3A_16 = arith.addi %mul3A_7, %add3A_15 : i32
    "tpu.region"() ({
      %run_scoped3A = tpu.sem_alloc : memref<!tpu.dma_semaphore, #tpu.memory_space<semaphore_mem>>
      %dma_start3A = arith.constant 0 : i32
      %dma_start3A_33 = arith.constant 0 : i32
      %dma_start3A_34 = tpu.memref_slice %arg8[%dma_start3A, %dma_start3A_33] : memref<128x128xf32, #tpu.memory_space<vmem>> -> memref<120x128xf32, #tpu.memory_space<vmem>>
      %dma_start3A_35 = arith.constant 0 : i32
      %dma_start3A_36 = tpu.memref_slice %arg9[%add3A_16, %dma_start3A_35] : memref<10112x128xf32, #tpu.memory_space<vmem_shared>> -> memref<120x128xf32, #tpu.memory_space<vmem_shared>>
      %dma_start3A_37 = arith.constant 0 : i32
      %dma_start3A_38 = tpu.memref_slice %arg9[%add3A_16, %dma_start3A_37] : memref<10112x128xf32, #tpu.memory_space<vmem_shared>> -> memref<120x128xf32, #tpu.memory_space<vmem_shared>>
      %dma_start3A_39 = arith.constant 0 : i32
      %dma_start3A_40 = arith.constant 0 : i32
      %dma_start3A_41 = tpu.memref_slice %arg8[%dma_start3A_39, %dma_start3A_40] : memref<128x128xf32, #tpu.memory_space<vmem>> -> memref<120x128xf32, #tpu.memory_space<vmem>>
      tpu.enqueue_dma source(%dma_start3A_41 : memref<120x128xf32, #tpu.memory_space<vmem>>) target(%dma_start3A_38 : memref<120x128xf32, #tpu.memory_space<vmem_shared>>) target_semaphore(%run_scoped3A : memref<!tpu.dma_semaphore, #tpu.memory_space<semaphore_mem>>)
      %dma_wait3A = arith.constant 0 : i32
      %dma_wait3A_42 = arith.constant 0 : i32
      %dma_wait3A_43 = tpu.memref_slice %arg8[%dma_wait3A, %dma_wait3A_42] : memref<128x128xf32, #tpu.memory_space<vmem>> -> memref<120x128xf32, #tpu.memory_space<vmem>>
      %dma_wait3A_44 = arith.constant 0 : i32
      %dma_wait3A_45 = tpu.memref_slice %arg9[%add3A_16, %dma_wait3A_44] : memref<10112x128xf32, #tpu.memory_space<vmem_shared>> -> memref<120x128xf32, #tpu.memory_space<vmem_shared>>
      %dma_wait3A_46 = arith.constant 0 : i32
      %dma_wait3A_47 = tpu.memref_slice %arg9[%add3A_16, %dma_wait3A_46] : memref<10112x128xf32, #tpu.memory_space<vmem_shared>> -> memref<120x128xf32, #tpu.memory_space<vmem_shared>>
      %dma_wait3A_48 = arith.constant 0 : i32
      %dma_wait3A_49 = arith.constant 0 : i32
      %dma_wait3A_50 = tpu.memref_slice %arg8[%dma_wait3A_48, %dma_wait3A_49] : memref<128x128xf32, #tpu.memory_space<vmem>> -> memref<120x128xf32, #tpu.memory_space<vmem>>
      tpu.wait_dma2 semaphore(%run_scoped3A : memref<!tpu.dma_semaphore, #tpu.memory_space<semaphore_mem>>) src(%dma_wait3A_50 : memref<120x128xf32, #tpu.memory_space<vmem>>) dst(%dma_wait3A_47 : memref<120x128xf32, #tpu.memory_space<vmem_shared>>)
      tpu.yield
    }) : () -> ()
    %barrier3A = arith.constant 0 : index
    tpu.barrier barrier_id(%barrier3A)
    %mul3A_17 = arith.constant 16 : i32
    %mul3A_18 = arith.muli %arg0, %mul3A_17 : i32
    %add3A_19 = arith.addi %mul3A_18, %arg1 : i32
    %mul3A_20 = arith.constant 10112 : i32
    %mul3A_21 = arith.muli %add3A_19, %mul3A_20 : i32
    %scan3A_22 = arith.constant 0 : i32
    %scan3A_23 = arith.constant 0 : i32
    %scan3A_24 = arith.constant 79 : i32
    %scan3A_25 = arith.addi %scan3A_23, %scan3A_24 : i32
    %scan3A_26 = arith.constant 1 : i32
    %scan3A_27 = scf.for %scan3A_33 = %scan3A_23 to %scan3A_25 step %scan3A_26 iter_args(%scan3A_34 = %scan3A_22) -> (i32)  : i32 {
      %mul3A_35 = arith.constant 128 : i32
      %mul3A_36 = arith.muli %scan3A_33, %mul3A_35 : i32
      %add3A_37 = arith.addi %mul3A_21, %mul3A_36 : i32
      "tpu.region"() ({
        %run_scoped3A = tpu.sem_alloc : memref<!tpu.dma_semaphore, #tpu.memory_space<semaphore_mem>>
        %dma_start3A_43 = tpu.memref_slice %arg3[%add3A_37] : memref<323584xi32, #tpu.memory_space<hbm>> -> memref<128xi32, #tpu.memory_space<hbm>>
        %dma_start3A_44 = tpu.memref_slice %arg3[%add3A_37] : memref<323584xi32, #tpu.memory_space<hbm>> -> memref<128xi32, #tpu.memory_space<hbm>>
        tpu.enqueue_dma source(%dma_start3A_44 : memref<128xi32, #tpu.memory_space<hbm>>) target(%arg6 : memref<128xi32, #tpu.memory_space<vmem>>) target_semaphore(%run_scoped3A : memref<!tpu.dma_semaphore, #tpu.memory_space<semaphore_mem>>)
        %dma_wait3A_45 = tpu.memref_slice %arg3[%add3A_37] : memref<323584xi32, #tpu.memory_space<hbm>> -> memref<128xi32, #tpu.memory_space<hbm>>
        %dma_wait3A_46 = tpu.memref_slice %arg3[%add3A_37] : memref<323584xi32, #tpu.memory_space<hbm>> -> memref<128xi32, #tpu.memory_space<hbm>>
        tpu.wait_dma2 semaphore(%run_scoped3A : memref<!tpu.dma_semaphore, #tpu.memory_space<semaphore_mem>>) src(%dma_wait3A_46 : memref<128xi32, #tpu.memory_space<hbm>>) dst(%arg6 : memref<128xi32, #tpu.memory_space<vmem>>)
        tpu.yield
      }) : () -> ()
      "tpu.region"() ({
        %run_scoped3A = tpu.sem_alloc : memref<!tpu.dma_semaphore, #tpu.memory_space<semaphore_mem>>
        %dma_start3A_43 = tpu.memref_slice %arg4[%add3A_37] : memref<323584xi32, #tpu.memory_space<hbm>> -> memref<128xi32, #tpu.memory_space<hbm>>
        %dma_start3A_44 = tpu.memref_slice %arg4[%add3A_37] : memref<323584xi32, #tpu.memory_space<hbm>> -> memref<128xi32, #tpu.memory_space<hbm>>
        tpu.enqueue_dma source(%dma_start3A_44 : memref<128xi32, #tpu.memory_space<hbm>>) target(%arg7 : memref<128xi32, #tpu.memory_space<vmem>>) target_semaphore(%run_scoped3A : memref<!tpu.dma_semaphore, #tpu.memory_space<semaphore_mem>>)
        %dma_wait3A_45 = tpu.memref_slice %arg4[%add3A_37] : memref<323584xi32, #tpu.memory_space<hbm>> -> memref<128xi32, #tpu.memory_space<hbm>>
        %dma_wait3A_46 = tpu.memref_slice %arg4[%add3A_37] : memref<323584xi32, #tpu.memory_space<hbm>> -> memref<128xi32, #tpu.memory_space<hbm>>
        tpu.wait_dma2 semaphore(%run_scoped3A : memref<!tpu.dma_semaphore, #tpu.memory_space<semaphore_mem>>) src(%dma_wait3A_46 : memref<128xi32, #tpu.memory_space<hbm>>) dst(%arg7 : memref<128xi32, #tpu.memory_space<vmem>>)
        tpu.yield
      }) : () -> ()
      %dma_start3A = arith.constant 0 : i32
      %dma_start3A_38 = arith.constant 0 : i32
      %dma_start3A_39 = tpu.memref_slice %arg2[%dma_start3A, %dma_start3A_38] : memref<10000x128xf32, #tpu.memory_space<hbm>> -> memref<10000x128xf32, #tpu.memory_space<hbm>>
      tpu.enqueue_indirect_dma source(%dma_start3A_39 : memref<10000x128xf32, #tpu.memory_space<hbm>>) target(%arg8 : memref<128x128xf32, #tpu.memory_space<vmem>>) offsets(%arg6 : memref<128xi32, #tpu.memory_space<vmem>>) semaphore(%arg10 : memref<!tpu.dma_semaphore, #tpu.memory_space<semaphore_mem>>)
      %dma_wait3A = arith.constant 0 : i32
      %dma_wait3A_40 = arith.constant 0 : i32
      %dma_wait3A_41 = tpu.memref_slice %arg2[%dma_wait3A, %dma_wait3A_40] : memref<10000x128xf32, #tpu.memory_space<hbm>> -> memref<10000x128xf32, #tpu.memory_space<hbm>>
      tpu.wait_indirect_dma semaphore(%arg10 : memref<!tpu.dma_semaphore, #tpu.memory_space<semaphore_mem>>) src(%dma_wait3A_41 : memref<10000x128xf32, #tpu.memory_space<hbm>>) dst(%arg8 : memref<128x128xf32, #tpu.memory_space<vmem>>)
      "tpu.region"() ({
        %run_scoped3A = tpu.sem_alloc : memref<!tpu.dma_semaphore, #tpu.memory_space<semaphore_mem>>
        %dma_start3A_43 = arith.constant 0 : i32
        %dma_start3A_44 = arith.constant 0 : i32
        %dma_start3A_45 = tpu.memref_slice %arg9[%dma_start3A_43, %dma_start3A_44] : memref<10112x128xf32, #tpu.memory_space<vmem_shared>> -> memref<10112x128xf32, #tpu.memory_space<vmem_shared>>
        tpu.enqueue_indirect_dma source(%arg8 : memref<128x128xf32, #tpu.memory_space<vmem>>) target(%dma_start3A_45 : memref<10112x128xf32, #tpu.memory_space<vmem_shared>>) offsets(%arg7 : memref<128xi32, #tpu.memory_space<vmem>>) semaphore(%run_scoped3A : memref<!tpu.dma_semaphore, #tpu.memory_space<semaphore_mem>>) {add = true}
        %dma_wait3A_46 = arith.constant 0 : i32
        %dma_wait3A_47 = arith.constant 0 : i32
        %dma_wait3A_48 = tpu.memref_slice %arg9[%dma_wait3A_46, %dma_wait3A_47] : memref<10112x128xf32, #tpu.memory_space<vmem_shared>> -> memref<10112x128xf32, #tpu.memory_space<vmem_shared>>
        tpu.wait_indirect_dma semaphore(%run_scoped3A : memref<!tpu.dma_semaphore, #tpu.memory_space<semaphore_mem>>) src(%arg8 : memref<128x128xf32, #tpu.memory_space<vmem>>) dst(%dma_wait3A_48 : memref<10112x128xf32, #tpu.memory_space<vmem_shared>>)
        tpu.yield
      }) : () -> ()
      %scan3A_42 = arith.constant 0 : i32
      scf.yield %scan3A_42 : i32
    }
    %scan3A_28 = arith.constant 79 : i32
    %barrier3A_29 = arith.constant 0 : index
    tpu.barrier barrier_id(%barrier3A_29)
    %mul3A_30 = arith.constant 10112 : i32
    %mul3A_31 = arith.muli %arg0, %mul3A_30 : i32
    %add3A_32 = arith.addi %mul3A_31, %mul3A_7 : i32
    "tpu.region"() ({
      %run_scoped3A = tpu.sem_alloc : memref<!tpu.dma_semaphore, #tpu.memory_space<semaphore_mem>>
      %dma_start3A = arith.constant 0 : i32
      %dma_start3A_33 = tpu.memref_slice %arg5[%add3A_32, %dma_start3A] : memref<20224x128xf32, #tpu.memory_space<hbm>> -> memref<632x128xf32, #tpu.memory_space<hbm>>
      %dma_start3A_34 = arith.constant 0 : i32
      %dma_start3A_35 = tpu.memref_slice %arg9[%mul3A_7, %dma_start3A_34] : memref<10112x128xf32, #tpu.memory_space<vmem_shared>> -> memref<632x128xf32, #tpu.memory_space<vmem_shared>>
      tpu.enqueue_dma source(%dma_start3A_35 : memref<632x128xf32, #tpu.memory_space<vmem_shared>>) target(%dma_start3A_33 : memref<632x128xf32, #tpu.memory_space<hbm>>) target_semaphore(%run_scoped3A : memref<!tpu.dma_semaphore, #tpu.memory_space<semaphore_mem>>)
      %dma_wait3A = arith.constant 0 : i32
      %dma_wait3A_36 = tpu.memref_slice %arg5[%add3A_32, %dma_wait3A] : memref<20224x128xf32, #tpu.memory_space<hbm>> -> memref<632x128xf32, #tpu.memory_space<hbm>>
      %dma_wait3A_37 = arith.constant 0 : i32
      %dma_wait3A_38 = tpu.memref_slice %arg9[%mul3A_7, %dma_wait3A_37] : memref<10112x128xf32, #tpu.memory_space<vmem_shared>> -> memref<632x128xf32, #tpu.memory_space<vmem_shared>>
      tpu.wait_dma2 semaphore(%run_scoped3A : memref<!tpu.dma_semaphore, #tpu.memory_space<semaphore_mem>>) src(%dma_wait3A_38 : memref<632x128xf32, #tpu.memory_space<vmem_shared>>) dst(%dma_wait3A_36 : memref<632x128xf32, #tpu.memory_space<hbm>>)
      tpu.yield
    }) : () -> ()
    return
  }
}

module attributes {stable_mosaic.version = 14 : i64} {
  func.func @body(%arg0: i32, %arg1: memref<2000x128xf32, #tpu.memory_space<vmem>>, %arg2: memref<2000x128xf32, #tpu.memory_space<vmem>>, %arg3: memref<2000x128xf32, #tpu.memory_space<vmem>>, %arg4: memref<128x128xf32, #tpu.memory_space<vmem>>, %arg5: memref<128x128xf32, #tpu.memory_space<vmem>>, %arg6: memref<1x128xf32, #tpu.memory_space<vmem>>, %arg7: memref<2000x128xf32, #tpu.memory_space<vmem>>) attributes {dimension_semantics = [#tpu.dimension_semantics<arbitrary>], iteration_bounds = array<i64: 5>, scalar_prefetch = 0 : i64, scratch_operands = 0 : i64, tpu.core_type = #tpu.core_type<tc>, window_params = [{transform_indices = @transform_0, window_bounds = array<i64: 2000, 128>}, {transform_indices = @transform_1, window_bounds = array<i64: 2000, 128>}, {transform_indices = @transform_2, window_bounds = array<i64: 2000, 128>}, {pipeline_mode = #tpu.pipeline_mode<synchronous>, transform_indices = @transform_3, window_bounds = array<i64: 128, 128>}, {pipeline_mode = #tpu.pipeline_mode<synchronous>, transform_indices = @transform_4, window_bounds = array<i64: 128, 128>}, {pipeline_mode = #tpu.pipeline_mode<synchronous>, transform_indices = @transform_5, window_bounds = array<i64: 1, 128>}, {transform_indices = @transform_6, window_bounds = array<i64: 2000, 128>}]} {
    %get3A = arith.constant 0 : index
    %get3A_0 = arith.constant 0 : index
    %get3A_1 = vector.load %arg1[%get3A, %get3A_0] : memref<2000x128xf32, #tpu.memory_space<vmem>>, vector<2000x128xf32>
    %get3A_2 = arith.constant 0 : index
    %get3A_3 = arith.constant 0 : index
    %get3A_4 = vector.load %arg2[%get3A_2, %get3A_3] : memref<2000x128xf32, #tpu.memory_space<vmem>>, vector<2000x128xf32>
    %add3A = arith.addf %get3A_1, %get3A_4 : vector<2000x128xf32>
    %get3A_5 = arith.constant 0 : index
    %get3A_6 = arith.constant 0 : index
    %get3A_7 = vector.load %arg4[%get3A_5, %get3A_6] : memref<128x128xf32, #tpu.memory_space<vmem>>, vector<128x128xf32>
    %dot_general3A = arith.constant dense<0.000000e+00> : vector<2000x128xf32>
    %dot_general3A_8 = tpu.matmul %add3A, %get3A_7, %dot_general3A {dimension_numbers = #tpu.dot_dimension_numbers<[1], [0], [0], [1], [0, 0, 1, 1], [], []>, transpose_lhs_hint = false} : vector<2000x128xf32>, vector<128x128xf32>, vector<2000x128xf32> -> vector<2000x128xf32>
    %get3A_9 = arith.constant 0 : index
    %get3A_10 = arith.constant 0 : index
    %get3A_11 = vector.load %arg3[%get3A_9, %get3A_10] : memref<2000x128xf32, #tpu.memory_space<vmem>>, vector<2000x128xf32>
    %get3A_12 = arith.constant 0 : index
    %get3A_13 = arith.constant 0 : index
    %get3A_14 = vector.load %arg5[%get3A_12, %get3A_13] : memref<128x128xf32, #tpu.memory_space<vmem>>, vector<128x128xf32>
    %dot_general3A_15 = arith.constant dense<0.000000e+00> : vector<2000x128xf32>
    %dot_general3A_16 = tpu.matmul %get3A_11, %get3A_14, %dot_general3A_15 {dimension_numbers = #tpu.dot_dimension_numbers<[1], [0], [0], [1], [0, 0, 1, 1], [], []>, transpose_lhs_hint = false} : vector<2000x128xf32>, vector<128x128xf32>, vector<2000x128xf32> -> vector<2000x128xf32>
    %add3A_17 = arith.addf %dot_general3A_8, %dot_general3A_16 : vector<2000x128xf32>
    %get3A_18 = arith.constant 0 : index
    %get3A_19 = arith.constant 0 : index
    %get3A_20 = vector.load %arg6[%get3A_18, %get3A_19] : memref<1x128xf32, #tpu.memory_space<vmem>>, vector<1x128xf32>
    %add3A_21 = vector.broadcast %get3A_20 : vector<1x128xf32> to vector<2000x128xf32>
    %add3A_22 = arith.addf %add3A_17, %add3A_21 : vector<2000x128xf32>
    %max3A = arith.constant 0.000000e+00 : f32
    %max3A_23 = vector.broadcast %max3A : f32 to vector<2000x128xf32>
    %max3A_24 = arith.maximumf %add3A_22, %max3A_23 : vector<2000x128xf32>
    %swap3A = arith.constant 0 : index
    %swap3A_25 = arith.constant 0 : index
    %swap3A_26 = vector.load %arg7[%swap3A, %swap3A_25] : memref<2000x128xf32, #tpu.memory_space<vmem>>, vector<2000x128xf32>
    tpu.vector_store %arg7[%swap3A, %swap3A_25], %max3A_24 {strides = array<i32>} : memref<2000x128xf32, #tpu.memory_space<vmem>>, vector<2000x128xf32>,
    return
  }
  func.func @transform_0(%arg0: i32) -> (i32, i32) {
    %c0_i32 = arith.constant 0 : i32
    %c0_i32_0 = arith.constant 0 : i32
    return %arg0, %c0_i32 : i32, i32
  }
  func.func @transform_1(%arg0: i32) -> (i32, i32) {
    %c0_i32 = arith.constant 0 : i32
    %c0_i32_0 = arith.constant 0 : i32
    return %arg0, %c0_i32 : i32, i32
  }
  func.func @transform_2(%arg0: i32) -> (i32, i32) {
    %c0_i32 = arith.constant 0 : i32
    %c0_i32_0 = arith.constant 0 : i32
    return %arg0, %c0_i32 : i32, i32
  }
  func.func @transform_3(%arg0: i32) -> (i32, i32) {
    %c0_i32 = arith.constant 0 : i32
    %c0_i32_0 = arith.constant 0 : i32
    %c0_i32_1 = arith.constant 0 : i32
    return %c0_i32, %c0_i32_0 : i32, i32
  }
  func.func @transform_4(%arg0: i32) -> (i32, i32) {
    %c0_i32 = arith.constant 0 : i32
    %c0_i32_0 = arith.constant 0 : i32
    %c0_i32_1 = arith.constant 0 : i32
    return %c0_i32, %c0_i32_0 : i32, i32
  }
  func.func @transform_5(%arg0: i32) -> (i32, i32) {
    %c0_i32 = arith.constant 0 : i32
    %c0_i32_0 = arith.constant 0 : i32
    %c0_i32_1 = arith.constant 0 : i32
    return %c0_i32, %c0_i32_0 : i32, i32
  }
  func.func @transform_6(%arg0: i32) -> (i32, i32) {
    %c0_i32 = arith.constant 0 : i32
    %c0_i32_0 = arith.constant 0 : i32
    return %arg0, %c0_i32 : i32, i32
  }
}

module attributes {stable_mosaic.version = 14 : i64} {
  func.func @body(%arg0: i32, %arg1: memref<1x8000x1xi32, #tpu.memory_space<vmem>>, %arg2: memref<1x8000x1xi32, #tpu.memory_space<vmem>>, %arg3: memref<80x128xf32, #tpu.memory_space<vmem>>) attributes {dimension_semantics = [#tpu.dimension_semantics<arbitrary>], iteration_bounds = array<i64: 40>, scalar_prefetch = 0 : i64, scratch_operands = 0 : i64, tpu.core_type = #tpu.core_type<tc>, window_params = [{transform_indices = @transform_0, window_bounds = array<i64: 1, 8000, 1>}, {transform_indices = @transform_1, window_bounds = array<i64: 1, 8000, 1>}, {pipeline_mode = #tpu.pipeline_mode<synchronous>, transform_indices = @transform_2, window_bounds = array<i64: 80, 128>}]} {
    %get3A = arith.constant 0 : index
    %get3A_0 = arith.constant 0 : index
    %get3A_1 = arith.constant 0 : index
    %get3A_2 = vector.load %arg1[%get3A, %get3A_0, %get3A_1] : memref<1x8000x1xi32, #tpu.memory_space<vmem>>, vector<1x8000x1xi32>
    %get3A_3 = vector.shape_cast %get3A_2 : vector<1x8000x1xi32> to vector<8000x1xi32>
    %get3A_4 = arith.constant 0 : index
    %get3A_5 = arith.constant 0 : index
    %get3A_6 = arith.constant 0 : index
    %get3A_7 = vector.load %arg2[%get3A_4, %get3A_5, %get3A_6] : memref<1x8000x1xi32, #tpu.memory_space<vmem>>, vector<1x8000x1xi32>
    %get3A_8 = vector.shape_cast %get3A_7 : vector<1x8000x1xi32> to vector<8000x1xi32>
    %iota3A = tpu.iota {dimensions = array<i32: 1>} : vector<8000x128xi32>
    %eq3A = vector.broadcast %get3A_3 : vector<8000x1xi32> to vector<8000x128xi32>
    %eq3A_9 = arith.cmpi eq, %iota3A, %eq3A : vector<8000x128xi32>
    %convert_element_type3A = arith.extui %eq3A_9 : vector<8000x128xi1> to vector<8000x128xi32>
    %convert_element_type3A_10 = arith.sitofp %convert_element_type3A : vector<8000x128xi32> to vector<8000x128xf32>
    %iota3A_11 = tpu.iota {dimensions = array<i32: 1>} : vector<8000x80xi32>
    %eq3A_12 = vector.broadcast %get3A_8 : vector<8000x1xi32> to vector<8000x80xi32>
    %eq3A_13 = arith.cmpi eq, %iota3A_11, %eq3A_12 : vector<8000x80xi32>
    %convert_element_type3A_14 = arith.extui %eq3A_13 : vector<8000x80xi1> to vector<8000x80xi32>
    %convert_element_type3A_15 = arith.sitofp %convert_element_type3A_14 : vector<8000x80xi32> to vector<8000x80xf32>
    %dot_general3A = arith.constant dense<0.000000e+00> : vector<80x128xf32>
    %dot_general3A_16 = tpu.matmul %convert_element_type3A_15, %convert_element_type3A_10, %dot_general3A {dimension_numbers = #tpu.dot_dimension_numbers<[0], [0], [1], [1], [0, 1, 1, 1], [], []>, transpose_lhs_hint = false} : vector<8000x80xf32>, vector<8000x128xf32>, vector<80x128xf32> -> vector<80x128xf32>
    %eq3A_17 = arith.constant 0 : i32
    %eq3A_18 = arith.cmpi eq, %arg0, %eq3A_17 : i32
    %convert_element_type3A_19 = arith.extui %eq3A_18 : i1 to i32
    %cond3A = arith.constant 0 : i32
    %cond3A_20 = arith.cmpi ne, %convert_element_type3A_19, %cond3A : i32
    scf.if %cond3A_20 {
      %swap3A = arith.constant 0 : index
      %swap3A_25 = arith.constant 0 : index
      %swap3A_26 = vector.load %arg3[%swap3A, %swap3A_25] : memref<80x128xf32, #tpu.memory_space<vmem>>, vector<80x128xf32>
      tpu.vector_store %arg3[%swap3A, %swap3A_25], %dot_general3A_16 {strides = array<i32>} : memref<80x128xf32, #tpu.memory_space<vmem>>, vector<80x128xf32>,
    } else {
    }
    %gt3A = arith.constant 0 : i32
    %gt3A_21 = arith.cmpi sgt, %arg0, %gt3A : i32
    %convert_element_type3A_22 = arith.extui %gt3A_21 : i1 to i32
    %cond3A_23 = arith.constant 0 : i32
    %cond3A_24 = arith.cmpi ne, %convert_element_type3A_22, %cond3A_23 : i32
    scf.if %cond3A_24 {
      %get3A_25 = arith.constant 0 : index
      %get3A_26 = arith.constant 0 : index
      %get3A_27 = vector.load %arg3[%get3A_25, %get3A_26] : memref<80x128xf32, #tpu.memory_space<vmem>>, vector<80x128xf32>
      %add3A = arith.addf %get3A_27, %dot_general3A_16 : vector<80x128xf32>
      %swap3A = arith.constant 0 : index
      %swap3A_28 = arith.constant 0 : index
      %swap3A_29 = vector.load %arg3[%swap3A, %swap3A_28] : memref<80x128xf32, #tpu.memory_space<vmem>>, vector<80x128xf32>
      tpu.vector_store %arg3[%swap3A, %swap3A_28], %add3A {strides = array<i32>} : memref<80x128xf32, #tpu.memory_space<vmem>>, vector<80x128xf32>,
    } else {
    }
    return
  }
  func.func @transform_0(%arg0: i32) -> (i32, i32, i32) {
    %c0_i32 = arith.constant 0 : i32
    %c0_i32_0 = arith.constant 0 : i32
    %c0_i32_1 = arith.constant 0 : i32
    return %arg0, %c0_i32, %c0_i32_0 : i32, i32, i32
  }
  func.func @transform_1(%arg0: i32) -> (i32, i32, i32) {
    %c0_i32 = arith.constant 0 : i32
    %c0_i32_0 = arith.constant 0 : i32
    %c0_i32_1 = arith.constant 0 : i32
    return %arg0, %c0_i32, %c0_i32_0 : i32, i32, i32
  }
  func.func @transform_2(%arg0: i32) -> (i32, i32) {
    %c0_i32 = arith.constant 0 : i32
    %c0_i32_0 = arith.constant 0 : i32
    %c0_i32_1 = arith.constant 0 : i32
    return %c0_i32, %c0_i32_0 : i32, i32
  }
}

module attributes {stable_mosaic.version = 14 : i64} {
  func.func @body(%arg0: i32, %arg1: memref<2000x1xf32, #tpu.memory_space<vmem>>, %arg2: memref<2000x128xf32, #tpu.memory_space<vmem>>, %arg3: memref<128x128xf32, #tpu.memory_space<vmem>>, %arg4: memref<2000x128xf32, #tpu.memory_space<vmem>>, %arg5: memref<2000x16xf32, #tpu.memory_space<vmem>>) attributes {dimension_semantics = [#tpu.dimension_semantics<arbitrary>], iteration_bounds = array<i64: 5>, scalar_prefetch = 0 : i64, scratch_operands = 0 : i64, tpu.core_type = #tpu.core_type<tc>, window_params = [{transform_indices = @transform_0, window_bounds = array<i64: 2000, 1>}, {transform_indices = @transform_1, window_bounds = array<i64: 2000, 128>}, {pipeline_mode = #tpu.pipeline_mode<synchronous>, transform_indices = @transform_2, window_bounds = array<i64: 128, 128>}, {transform_indices = @transform_3, window_bounds = array<i64: 2000, 128>}, {transform_indices = @transform_4, window_bounds = array<i64: 2000, 16>}]} {
    %get3A = arith.constant 0 : index
    %get3A_0 = arith.constant 0 : index
    %get3A_1 = vector.load %arg1[%get3A, %get3A_0] : memref<2000x1xf32, #tpu.memory_space<vmem>>, vector<2000x1xf32>
    %add3A = arith.constant 1.000000e+00 : f32
    %add3A_2 = vector.broadcast %add3A : f32 to vector<2000x1xf32>
    %add3A_3 = arith.addf %get3A_1, %add3A_2 : vector<2000x1xf32>
    %rsqrt3A = math.rsqrt %add3A_3 : vector<2000x1xf32>
    %get3A_4 = arith.constant 0 : index
    %get3A_5 = arith.constant 0 : index
    %get3A_6 = vector.load %arg2[%get3A_4, %get3A_5] : memref<2000x128xf32, #tpu.memory_space<vmem>>, vector<2000x128xf32>
    %get3A_7 = arith.constant 0 : index
    %get3A_8 = arith.constant 0 : index
    %get3A_9 = vector.load %arg3[%get3A_7, %get3A_8] : memref<128x128xf32, #tpu.memory_space<vmem>>, vector<128x128xf32>
    %dot_general3A = arith.constant dense<0.000000e+00> : vector<2000x128xf32>
    %dot_general3A_10 = tpu.matmul %get3A_6, %get3A_9, %dot_general3A {dimension_numbers = #tpu.dot_dimension_numbers<[1], [0], [0], [1], [0, 0, 1, 1], [], []>, transpose_lhs_hint = false} : vector<2000x128xf32>, vector<128x128xf32>, vector<2000x128xf32> -> vector<2000x128xf32>
    %mul3A = vector.broadcast %rsqrt3A : vector<2000x1xf32> to vector<2000x128xf32>
    %mul3A_11 = arith.mulf %mul3A, %dot_general3A_10 : vector<2000x128xf32>
    %swap3A = arith.constant 0 : index
    %swap3A_12 = arith.constant 0 : index
    %swap3A_13 = vector.load %arg4[%swap3A, %swap3A_12] : memref<2000x128xf32, #tpu.memory_space<vmem>>, vector<2000x128xf32>
    tpu.vector_store %arg4[%swap3A, %swap3A_12], %mul3A_11 {strides = array<i32>} : memref<2000x128xf32, #tpu.memory_space<vmem>>, vector<2000x128xf32>,
    %broadcast_in_dim3A = vector.shape_cast %rsqrt3A : vector<2000x1xf32> to vector<2000x1xf32>
    %broadcast_in_dim3A_14 = vector.broadcast %broadcast_in_dim3A : vector<2000x1xf32> to vector<2000x16xf32>
    %swap3A_15 = arith.constant 0 : index
    %swap3A_16 = arith.constant 0 : index
    %swap3A_17 = vector.load %arg5[%swap3A_15, %swap3A_16] : memref<2000x16xf32, #tpu.memory_space<vmem>>, vector<2000x16xf32>
    tpu.vector_store %arg5[%swap3A_15, %swap3A_16], %broadcast_in_dim3A_14 {strides = array<i32>} : memref<2000x16xf32, #tpu.memory_space<vmem>>, vector<2000x16xf32>,
    return
  }
  func.func @transform_0(%arg0: i32) -> (i32, i32) {
    %c0_i32 = arith.constant 0 : i32
    %c0_i32_0 = arith.constant 0 : i32
    return %arg0, %c0_i32 : i32, i32
  }
  func.func @transform_1(%arg0: i32) -> (i32, i32) {
    %c0_i32 = arith.constant 0 : i32
    %c0_i32_0 = arith.constant 0 : i32
    return %arg0, %c0_i32 : i32, i32
  }
  func.func @transform_2(%arg0: i32) -> (i32, i32) {
    %c0_i32 = arith.constant 0 : i32
    %c0_i32_0 = arith.constant 0 : i32
    %c0_i32_1 = arith.constant 0 : i32
    return %c0_i32, %c0_i32_0 : i32, i32
  }
  func.func @transform_3(%arg0: i32) -> (i32, i32) {
    %c0_i32 = arith.constant 0 : i32
    %c0_i32_0 = arith.constant 0 : i32
    return %arg0, %c0_i32 : i32, i32
  }
  func.func @transform_4(%arg0: i32) -> (i32, i32) {
    %c0_i32 = arith.constant 0 : i32
    %c0_i32_0 = arith.constant 0 : i32
    return %arg0, %c0_i32 : i32, i32
  }
}

module attributes {stable_mosaic.version = 14 : i64} {
  func.func @body(%arg0: i32, %arg1: memref<2000x128xf32, #tpu.memory_space<vmem>>, %arg2: memref<2000x128xf32, #tpu.memory_space<vmem>>, %arg3: memref<2000x128xf32, #tpu.memory_space<vmem>>, %arg4: memref<2000x16xf32, #tpu.memory_space<vmem>>, %arg5: memref<1x128xf32, #tpu.memory_space<vmem>>, %arg6: memref<128x64xf32, #tpu.memory_space<vmem>>, %arg7: memref<1x64xf32, #tpu.memory_space<vmem>>, %arg8: memref<2000x64xf32, #tpu.memory_space<vmem>>) attributes {dimension_semantics = [#tpu.dimension_semantics<arbitrary>], iteration_bounds = array<i64: 5>, scalar_prefetch = 0 : i64, scratch_operands = 0 : i64, tpu.core_type = #tpu.core_type<tc>, window_params = [{transform_indices = @transform_0, window_bounds = array<i64: 2000, 128>}, {transform_indices = @transform_1, window_bounds = array<i64: 2000, 128>}, {transform_indices = @transform_2, window_bounds = array<i64: 2000, 128>}, {transform_indices = @transform_3, window_bounds = array<i64: 2000, 16>}, {pipeline_mode = #tpu.pipeline_mode<synchronous>, transform_indices = @transform_4, window_bounds = array<i64: 1, 128>}, {pipeline_mode = #tpu.pipeline_mode<synchronous>, transform_indices = @transform_5, window_bounds = array<i64: 128, 64>}, {pipeline_mode = #tpu.pipeline_mode<synchronous>, transform_indices = @transform_6, window_bounds = array<i64: 1, 64>}, {transform_indices = @transform_7, window_bounds = array<i64: 2000, 64>}]} {
    %get3A = arith.constant 0 : index
    %get3A_0 = arith.constant 0 : index
    %get3A_1 = vector.load %arg4[%get3A, %get3A_0] : memref<2000x16xf32, #tpu.memory_space<vmem>>, vector<2000x16xf32>
    %slice3A = vector.extract_strided_slice %get3A_1 {offsets = [0, 0], sizes = [2000, 1], strides = [1, 1]} : vector<2000x16xf32> to vector<2000x1xf32>
    %get3A_2 = arith.constant 0 : index
    %get3A_3 = arith.constant 0 : index
    %get3A_4 = vector.load %arg1[%get3A_2, %get3A_3] : memref<2000x128xf32, #tpu.memory_space<vmem>>, vector<2000x128xf32>
    %get3A_5 = arith.constant 0 : index
    %get3A_6 = arith.constant 0 : index
    %get3A_7 = vector.load %arg2[%get3A_5, %get3A_6] : memref<2000x128xf32, #tpu.memory_space<vmem>>, vector<2000x128xf32>
    %add3A = arith.addf %get3A_4, %get3A_7 : vector<2000x128xf32>
    %get3A_8 = arith.constant 0 : index
    %get3A_9 = arith.constant 0 : index
    %get3A_10 = vector.load %arg3[%get3A_8, %get3A_9] : memref<2000x128xf32, #tpu.memory_space<vmem>>, vector<2000x128xf32>
    %add3A_11 = arith.addf %add3A, %get3A_10 : vector<2000x128xf32>
    %mul3A = vector.broadcast %slice3A : vector<2000x1xf32> to vector<2000x128xf32>
    %mul3A_12 = arith.mulf %mul3A, %add3A_11 : vector<2000x128xf32>
    %get3A_13 = arith.constant 0 : index
    %get3A_14 = arith.constant 0 : index
    %get3A_15 = vector.load %arg5[%get3A_13, %get3A_14] : memref<1x128xf32, #tpu.memory_space<vmem>>, vector<1x128xf32>
    %add3A_16 = vector.broadcast %get3A_15 : vector<1x128xf32> to vector<2000x128xf32>
    %add3A_17 = arith.addf %mul3A_12, %add3A_16 : vector<2000x128xf32>
    %get3A_18 = arith.constant 0 : index
    %get3A_19 = arith.constant 0 : index
    %get3A_20 = vector.load %arg6[%get3A_18, %get3A_19] : memref<128x64xf32, #tpu.memory_space<vmem>>, vector<128x64xf32>
    %dot_general3A = arith.constant dense<0.000000e+00> : vector<2000x64xf32>
    %dot_general3A_21 = tpu.matmul %add3A_17, %get3A_20, %dot_general3A {dimension_numbers = #tpu.dot_dimension_numbers<[1], [0], [0], [1], [0, 0, 1, 1], [], []>, transpose_lhs_hint = false} : vector<2000x128xf32>, vector<128x64xf32>, vector<2000x64xf32> -> vector<2000x64xf32>
    %get3A_22 = arith.constant 0 : index
    %get3A_23 = arith.constant 0 : index
    %get3A_24 = vector.load %arg7[%get3A_22, %get3A_23] : memref<1x64xf32, #tpu.memory_space<vmem>>, vector<1x64xf32>
    %add3A_25 = vector.broadcast %get3A_24 : vector<1x64xf32> to vector<2000x64xf32>
    %add3A_26 = arith.addf %dot_general3A_21, %add3A_25 : vector<2000x64xf32>
    %swap3A = arith.constant 0 : index
    %swap3A_27 = arith.constant 0 : index
    %swap3A_28 = vector.load %arg8[%swap3A, %swap3A_27] : memref<2000x64xf32, #tpu.memory_space<vmem>>, vector<2000x64xf32>
    tpu.vector_store %arg8[%swap3A, %swap3A_27], %add3A_26 {strides = array<i32>} : memref<2000x64xf32, #tpu.memory_space<vmem>>, vector<2000x64xf32>,
    return
  }
  func.func @transform_0(%arg0: i32) -> (i32, i32) {
    %c0_i32 = arith.constant 0 : i32
    %c0_i32_0 = arith.constant 0 : i32
    return %arg0, %c0_i32 : i32, i32
  }
  func.func @transform_1(%arg0: i32) -> (i32, i32) {
    %c0_i32 = arith.constant 0 : i32
    %c0_i32_0 = arith.constant 0 : i32
    return %arg0, %c0_i32 : i32, i32
  }
  func.func @transform_2(%arg0: i32) -> (i32, i32) {
    %c0_i32 = arith.constant 0 : i32
    %c0_i32_0 = arith.constant 0 : i32
    return %arg0, %c0_i32 : i32, i32
  }
  func.func @transform_3(%arg0: i32) -> (i32, i32) {
    %c0_i32 = arith.constant 0 : i32
    %c0_i32_0 = arith.constant 0 : i32
    return %arg0, %c0_i32 : i32, i32
  }
  func.func @transform_4(%arg0: i32) -> (i32, i32) {
    %c0_i32 = arith.constant 0 : i32
    %c0_i32_0 = arith.constant 0 : i32
    %c0_i32_1 = arith.constant 0 : i32
    return %c0_i32, %c0_i32_0 : i32, i32
  }
  func.func @transform_5(%arg0: i32) -> (i32, i32) {
    %c0_i32 = arith.constant 0 : i32
    %c0_i32_0 = arith.constant 0 : i32
    %c0_i32_1 = arith.constant 0 : i32
    return %c0_i32, %c0_i32_0 : i32, i32
  }
  func.func @transform_6(%arg0: i32) -> (i32, i32) {
    %c0_i32 = arith.constant 0 : i32
    %c0_i32_0 = arith.constant 0 : i32
    %c0_i32_1 = arith.constant 0 : i32
    return %c0_i32, %c0_i32_0 : i32, i32
  }
  func.func @transform_7(%arg0: i32) -> (i32, i32) {
    %c0_i32 = arith.constant 0 : i32
    %c0_i32_0 = arith.constant 0 : i32
    return %arg0, %c0_i32 : i32, i32
  }
}

</mosaic_0001>

<sc_bundles>
// kernel: kernel.10.cloned.1.call-start
scs
__scs_entry_jumppad:
0x0: {  	(pc) =	sbr.rel $0x88, $3  }
0x1: {  	(tag) =	ssettag $0x0;
	lr =	simm.s32 $0x1  }
0x2: {  	[smem:$0x3F95] =	sst lr;
	_ =	strace $0xD0000000  }
0x3: {  	_ = 	snop  }
0x4: {  	_ = 	snop  }
0x5: {  	_ = 	snop  }
0x6: {  	_ = 	snop  }
0x7: {  	_ = 	snop  }
__scs_overlays_trampoline_lowered:
0x8: {  	[smem:$0x3FA4] =	sst s0  }
0x9: {  	[smem:$0x3FA5] =	sst s1  }
0xa: {  	[smem:$0x3FA6] =	sst s2  }
0xb: {  	[smem:$0x3FA7] =	sst s3  }
0xc: {  	[smem:$0x3FA8] =	sst s4  }
0xd: {  	[smem:$0x3FA9] =	sst s5  }
0xe: {  	[smem:$0x3FAA] =	sst s6  }
0xf: {  	[smem:$0x3FAB] =	sst s7  }
0x10: {  	[smem:$0x3FAC] =	sst s8  }
0x11: {  	[smem:$0x3FAD] =	sst s9;
	s0 =	simm.s32 @!p0 $0x0  }
0x12: {  	s1 =	sld [smem:$0x3F93];
	s0 =	simm.s32 @p0 $0x1  }
0x13: {  	[smem:$0x3FAE] =	sst s0;
	s0 =	simm.s32 @!p1 $0x0  }
0x14: {  	s2 =	sld [smem:$0x3F92];
	s0 =	simm.s32 @p1 $0x1  }
0x15: {  	[smem:$0x3FAF] =	sst s0;
	s0 =	simm.s32 @!p2 $0x0  }
0x16: {  	s3 =	sld [smem:$0x3FDB];
	s0 =	simm.s32 @p2 $0x1  }
0x17: {  	s4 =	simm.s32 $0x1BF5;
	[smem:$0x3FB1] =	sst s0  }
0x18: {  	s0 =	sld [smem:$0x3F94];
	_ =	swait.ge [sflag:s4], $0x0  }
0x19: {  	s7 =	sld [smem:$0x3F95]  }
0x1a: {  	s8 =	sadd.s32 $0xFFFFE003, lr  }
0x1b: {  	s9 =	sadd.s32 $0xFFFFFEF7, lr;
	s5 =	simm.s32 $0xFFFFFFFF;
	p2 =	slt.u32 s8, $0xFFFFF086  }
0x1c: {  	p1 =	slt.u32 s9, $0xF7A;
	s5 =	simm.s32 @!p2 $0x0  }
0x1d: {  	s5 =	simm.s32 @p1 $0x1;
	p0 =	seq.s32 s7, s2  }
0x1e: {  	s7 =	smul.u32 @!p0 $0xF7A, s2;
	p2 =	seq.s32 @!p0 s5, $0x0  }
0x1f: {  	s9 =	smul.u32 $0xF7A, s1;
	s8 =	simm.s32 @!p0 $0x1BF5;
	p2 =	por !p2, p0  }
0x20: {  	[sflag:s8] =	ssyncset.s32 @!p0 $0xFFFFF086;
	s6 =	sadd.s32 @!p0 s3, s7;
	s7 =	simm.s32 @!p0 $0x108  }
0x21: {  	s3 =	sadd.s32 s3, s9;
	s6 =	sadd.s32 @!p0 $0x88, s6;
	s7 =	simm.s32 @p2 $0x1082  }
0x22: {  	[simem:s7], [sflag:s8] =	dma.local @!p0 [hbm:s6], $0xF7A  }
0x23: {  	s9 =	sor.u32 $0xD0000000, s2;
	s6 =	simm.s32 $0x108;
	_ =	swait.ge @!p0 [sflag:s8], $0x0  }
0x24: {  	s3 =	sadd.s32 $0x88, s3;
	s6 =	simm.s32 @!p1 $0x1082;
	[sflag:s4] =	ssyncset.s32 $0xFFFFF086  }
0x25: {  	[simem:s6], [sflag:s4] =	dma.local [hbm:s3], $0xF7A  }
0x26: {  	[smem:$0x3F95] =	sst s1;
	(tag) =	ssettag s2;
	_ =	strace s9  }
0x27: {  	s1 =	sld [smem:$0x3FA5]  }
0x28: {  	s2 =	sld [smem:$0x3FA6]  }
0x29: {  	s4 =	sld [smem:$0x3FA8]  }
0x2a: {  	p0 =	seq.s32 s5, $0x0;
	s5 =	sld [smem:$0x3FA9]  }
0x2b: {  	s6 =	sld [smem:$0x3FAA]  }
0x2c: {  	s7 =	sld [smem:$0x3FAB]  }
0x2d: {  	s3 =	simm.s32 $0x108;
	s8 =	sld [smem:$0x3FAC]  }
0x2e: {  	s3 =	simm.s32 @!p0 $0x1082;
	s9 =	sld [smem:$0x3FAD]  }
0x2f: {  	lr =	sadd.s32 s0, s3;
	s0 =	sld [smem:$0x3FA4]  }
0x30: {  	s3 =	sld [smem:$0x3FA7]  }
0x31: {  	[smem:$0x3FB0] =	sst s10  }
0x32: {  	s10 =	sld [smem:$0x3FAE];
	_ =	sdelay $0x3  }
0x33: {  	p0 =	seq.s32 s10, $0x1;
	s10 =	sld [smem:$0x3FB0];
	_ =	sdelay $0x3  }
0x34: {  	[smem:$0x3FB0] =	sst s10  }
0x35: {  	s10 =	sld [smem:$0x3FAF];
	_ =	sdelay $0x3  }
0x36: {  	p1 =	seq.s32 s10, $0x1;
	s10 =	sld [smem:$0x3FB0];
	_ =	sdelay $0x3  }
0x37: {  	[smem:$0x3FB0] =	sst s10  }
0x38: {  	s10 =	sld [smem:$0x3FB1]  }
0x39: {  	_ = 	snop;
	(pc) =	sbr.ind lr, $3  }
0x3a: {  	_ = 	snop  }
0x3b: {  	_ = 	snop  }
0x3c: {  	p2 =	seq.s32 s10, $0x1;
	s10 =	sld [smem:$0x3FB0]  }
0x3d: {  	_ =	shalt  }
0x3e: {  	_ =	shalt  }
0x3f: {  	_ =	shalt  }
0x40: {  	_ =	shalt  }
0x41: {  	_ =	shalt  }
0x42: {  	_ =	shalt  }
0x43: {  	_ =	shalt  }
0x44: {  	_ =	shalt  }
0x45: {  	_ =	shalt  }
0x46: {  	_ =	shalt  }
0x47: {  	_ =	shalt  }
0x48: {  	_ =	shalt  }
0x49: {  	_ =	shalt  }
0x4a: {  	_ =	shalt  }
0x4b: {  	_ =	shalt  }
0x4c: {  	_ =	shalt  }
0x4d: {  	_ =	shalt  }
0x4e: {  	_ =	shalt  }
0x4f: {  	_ =	shalt  }
0x50: {  	_ =	shalt  }
0x51: {  	_ =	shalt  }
0x52: {  	_ =	shalt  }
0x53: {  	_ =	shalt  }
0x54: {  	_ =	shalt  }
0x55: {  	_ =	shalt  }
0x56: {  	_ =	shalt  }
0x57: {  	_ =	shalt  }
0x58: {  	_ =	shalt  }
0x59: {  	_ =	shalt  }
0x5a: {  	_ =	shalt  }
0x5b: {  	_ =	shalt  }
0x5c: {  	_ =	shalt  }
0x5d: {  	_ =	shalt  }
0x5e: {  	_ =	shalt  }
0x5f: {  	_ =	shalt  }
0x60: {  	_ =	shalt  }
0x61: {  	_ =	shalt  }
0x62: {  	_ =	shalt  }
0x63: {  	_ =	shalt  }
0x64: {  	_ =	shalt  }
0x65: {  	_ =	shalt  }
0x66: {  	_ =	shalt  }
0x67: {  	_ =	shalt  }
0x68: {  	_ =	shalt  }
0x69: {  	_ =	shalt  }
0x6a: {  	_ =	shalt  }
0x6b: {  	_ =	shalt  }
0x6c: {  	_ =	shalt  }
0x6d: {  	_ =	shalt  }
0x6e: {  	_ =	shalt  }
0x6f: {  	_ =	shalt  }
0x70: {  	_ =	shalt  }
0x71: {  	_ =	shalt  }
0x72: {  	_ =	shalt  }
0x73: {  	_ =	shalt  }
0x74: {  	_ =	shalt  }
0x75: {  	_ =	shalt  }
0x76: {  	_ =	shalt  }
0x77: {  	_ =	shalt  }
0x78: {  	_ =	shalt  }
0x79: {  	_ =	shalt  }
0x7a: {  	_ =	shalt  }
0x7b: {  	_ =	shalt  }
0x7c: {  	_ =	shalt  }
0x7d: {  	_ =	shalt  }
0x7e: {  	_ =	shalt  }
0x7f: {  	_ =	shalt  }
0x80: {  	_ =	shalt  }
0x81: {  	_ =	shalt  }
0x82: {  	_ =	shalt  }
0x83: {  	_ =	shalt  }
0x84: {  	_ =	shalt  }
0x85: {  	_ =	shalt  }
0x86: {  	_ =	shalt  }
0x87: {  	_ =	shalt  }
.Lfunc_end0:
.L_simem_size_0:
called_computation_lowered:
.L_overlay_start_0:
0x88: {  	s2 =	sld [smem:$0x3FD9]  }
0x89: {  	s3 =	sld [smem:$0x3FFE];
	_ =	sdelay $0x1  }
0x8a: {  	s1 =	srdreg.scid  }
0x8b: {  	s0 =	sand.u32 $0x1, s1  }
0x8c: {  	s17 =	sshll.u32 s0, $0xA;
	s2 =	sadd.s32 s3, s2  }
0x8d: {  	s2 =	sadd.s32 s2, s17  }
0x8e: {  	[smem:$0x3FBC] =	sst s2  }
0x8f: {  	_ = 	snop  }
0x90: {  	s2 =	sld [smem:$0x3FC9]  }
0x91: {  	s18 =	sld [smem:$0x3FD0];
	(tm) =	ssettm $0x1  }
0x92: {  	s4 =	sld [smem:$0x3FFB];
	_ =	sdelay $0x3  }
0x93: {  	_ =	strace s4  }
0x94: {  	s4 =	sld [smem:$0x3FFC];
	_ =	sdelay $0x3  }
0x95: {  	_ =	strace s4  }
0x96: {  	s4 =	sld [smem:$0x3FFD];
	_ =	sdelay $0x3  }
0x97: {  	_ =	strace s4  }
0x98: {  	_ =	strace $0x8FFFFFFF  }
0x99: {  	s19 =	sld [smem:$0x3FDB];
	_ =	sdelay $0x1  }
0x9a: {  	s5 =	simm.s32 $_scs_section_size  }
0x9b: {  	s6 =	simm.s32 $_size__tile_overlayer_lowered;
	s7 =	simm.s32 $_tile_overlayer_lowered  }
0x9c: {  	s22 =	simm.s32 $0x1BFF;
	s21 =	sshll.u32 s7, $0x1;
	s4 =	sadd.s32 s5, s19  }
0x9d: {  	s8 =	simm.s32 $0x0;
	s20 =	sshll.u32 s6, $0x1;
	s6 =	sadd.s32 s21, s4  }
0x9e: {  	[timem:s8], [sflag:s22] =	dma.local [hbm:s6], s20  }
0x9f: {  	_ =	swait.ge [sflag:s22], s20  }
0xa0: {  	s5 =	ssub.s32 $0x0, s20;
	[sflag:s22] =	ssyncset.done $0x0  }
0xa1: {  	[sflag:s22] =	ssyncadd.s32 s5;
	_ =	sdelay $0x1  }
0xa2: {  	s23 =	simm.s32 $0x1B8B  }
0xa3: {  	_ =	swait.ge [sflag:s23], $0x1  }
0xa4: {  	[sflag:s23] =	ssyncset.done $0x0  }
0xa5: {  	s25 =	simm.s32 $0x1B8E;
	s24 =	sld [smem:$0x3FFE];
	[sflag:s23] =	ssyncadd.s32 $0xFFFFFFFF  }
0xa6: {  	s26 =	simm.s32 $execute0_lowered;
	[smem:$0x3FD2] =	sst s25  }
0xa7: {  	s6 =	sshll.u32 s26, $0x1;
	_ =	strace $0x80000046;
	[dreg:$0x1] =	wrdreg $0xFFFFFFFF  }
0xa8: {  	s28 =	simm.s32 $_size_execute0_lowered;
	s4 =	sadd.s32 s4, s6;
	[dreg:$0x0] =	wrdreg $0x0  }
0xa9: {  	s6 =	sshll.u32 s28, $0x1;
	[dreg:$0x2] =	wrdreg s4  }
0xaa: {  	[dreg:$0x3] =	wrdreg s6  }
0xab: {  	[dreg:$0x4] =	wrdreg $0xC0  }
0xac: {  	_ =	task [dreg:s8], $0x5FFFF  }
0xad: {  	[dreg:$0x1] =	wrdreg $0xFFFFFFFF  }
0xae: {  	[dreg:$0x0] =	wrdreg $0x60  }
0xaf: {  	[dreg:$0x2] =	wrdreg s2  }
0xb0: {  	[dreg:$0x3] =	wrdreg s18  }
0xb1: {  	[dreg:$0x4] =	wrdreg s24  }
0xb2: {  	[dreg:$0x5] =	wrdreg $0x41000  }
0xb3: {  	[dreg:$0x6] =	wrdreg $0x9  }
0xb4: {  	_ =	task.clear_ibuf [dreg:s8], $0x7FFFF;
	_ =	strace $0x90000046  }
0xb5: {  	s29 =	simm.s32 $0x9;
	_ =	strace $0x80000048  }
0xb6: {  	_ =	swait.ge [sflag:s29], $0x1  }
0xb7: {  	[sflag:s29] =	ssyncadd.s32 $0xFFFFFFFF  }
0xb8: {  	_ =	strace $0x90000048  }
0xb9: {  	_ =	sfence  }
0xba: {  	s30 =	sld [smem:$0x0];
	_ =	sdelay $0x2  }
0xbb: {  	s31 =	sshll.u32 s1, $0xD;
	s1 =	sshrl.u32 s1, $0x2  }
0xbc: {  	s3 =	sand.u32 $0x4000, s31;
	s1 =	sadd.s32 s1, s30  }
0xbd: {  	s0 =	sor.u32 s3, s0;
	s1 =	sshll.u32 s1, $0x11  }
0xbe: {  	s0 =	sor.u32 s1, s0  }
0xbf: {  	s0 =	sadd.s32 $0x8F2B, s0  }
0xc0: {  	[sflag:s0] =	ssyncadd.remote.s32 $0x1  }
0xc1: {  	_ =	sfence.sel $0xFFFF  }
0xc2: {  	[dreg:$0x0] =	wrdreg $0xFFFFFFFF;
	(pc) =	sbr.abs _section_cstart, $3  }
0xc3: {  	[dreg:$0x1] =	wrdreg $0xFFFFFFFF  }
0xc4: {  	_ =	task.clear_ibuf [dreg:s8], $0x2FFFF;
	_ =	strace $0x9FFFFFFF  }
0xc5: {  	(tm) =	ssettm $0x7FFFFFFF  }
tec
execute0_lowered:
.L_overlay_start_1:
0x0: {  	(tag) =	ssettag $0x1  }
0x1: {  	s0 =	rddreg [dreg:$0x0]  }
0x2: {  	s13 =	rddreg [dreg:$0x1]  }
0x3: {  	s5 =	rddreg [dreg:$0x2];
	s2 =	stileid.u32  }
0x4: {  	s1 =	srdreg.scid;
	s7 =	smul.u32 $0x2780, s2  }
0x5: {  	s3 =	rddreg [dreg:$0x3];
	s4 =	simm.s32 $0x0;
	s9 =	smul.u32 $0x4F000, s2  }
0x6: {  	s17 =	simm.s32 $0x1;
	s6 =	sand.u32 $0x1, s1;
	s15 =	smul.u32 $0x4F0, s2  }
0x7: {  	s20 =	simm.s32 $0x0;
	s1 =	rddreg [dreg:$0x4];
	s14 =	smul.u32 $0x4F00, s6  }
0x8: {  	[smem:$0x7FF] =	sst s4;
	s18 =	sshll.u32 s2, $0x6;
	s8 =	smul.u32 $0x27800, s6  }
0x9: {  	_ =	strace $0x80000047;
	s6 =	ssub.s32 $0x2, s6;
	s18 =	sor.u32 $0x1C02, s18  }
0xa: {  	s30 =	sshrl.u32 s6, $0x1;
	s31 =	sshrl.u32 s9, $0x2;
	s11 =	sadd.s32 s14, s5  }
0xb: {  	s7 =	sadd.s32 s7, s8;
	s12 =	ssub.s32 s6, s30;
	s13 =	sadd.s32 s14, s13  }
0xc: {  	s14 =	simm.s32 $0x100;
	s10 =	sadd.s32 s7, s5;
	s5 =	sadd.s32 s31, s3  }
0xd: {  	s16 =	sadd.s32 s15, s11;
	s11 =	smax.u32 s12, $0x1;
	s13 =	sadd.s32 s15, s13  }
0xe: {  	s15 =	simm.s32 $0x2;
	s6 =	sadd.s32 $0x4000, s5;
	s7 =	sadd.s32 $0x8000, s5  }
0xf: {  	s8 =	sadd.s32 $0xC000, s5;
	s9 =	sadd.s32 $0x10000, s5;
	s10 =	sadd.s32 $0xDE00, s10  }
0x10: {  	v0 =	vimm.f32 $0.0e+00;
	s12 =	sadd.s32 $0x4000, s16;
	s16 =	simm.s32 $0x80;
	s19 =	sshrl.u32 s5, $0x3  }
.LBB2_1:
0x11: {  	s21 =	simm.s32 $0x0;
	s22 =	simm.s32 $0x200  }
.LBB2_2:
0x12: {  	p0 =	sne.s32 s22, $0xFE00;
	[tilespmem:s21+$0x170] =	vst v0  }
0x13: {  	[tilespmem:s21+$0x100] =	vst v0  }
0x14: {  	[tilespmem:s21+$0x110] =	vst v0  }
.Ltmp0:
0x15: {  	[tilespmem:s21+$0x120] =	vst v0;
	(pc) =	sbr.rel @p0 .LBB2_2-.Ltmp0, $4  }
0x16: {  	[tilespmem:s21+$0x130] =	vst v0  }
0x17: {  	[tilespmem:s21+$0x140] =	vst v0  }
0x18: {  	[tilespmem:s21+$0x150] =	vst v0  }
0x19: {  	[tilespmem:s21+$0x160] =	vst v0;
	s21 =	sshra.s32 s22, $0x2;
	s22 =	sadd.s32 $0x200, s22  }
0x1a: {  	[tilespmem:s21+$0x170] =	vst v0  }
0x1b: {  	[tilespmem:s21+$0x100] =	vst v0  }
0x1c: {  	[tilespmem:s21+$0x110] =	vst v0  }
0x1d: {  	[tilespmem:s21+$0x120] =	vst v0  }
0x1e: {  	[tilespmem:s21+$0x130] =	vst v0  }
0x1f: {  	[tilespmem:s21+$0x140] =	vst v0  }
0x20: {  	[tilespmem:s21+$0x150] =	vst v0  }
0x21: {  	[tilespmem:s21+$0x160] =	vst v0  }
0x22: {  	[spmem:s5] =	stream.linear.scatter [tilespmem:s14], [sflag:$0x2], $0x4000, $0x38;
	[tilespmem:$0x17D00] =	vst v63  }
0x23: {  	_ =	swait.ge [sflag:s15], $0x4000  }
0x24: {  	[sflag:s15] =	ssyncset.done $0x0  }
0x25: {  	[sflag:s15] =	ssyncadd.s32 $0xFFFFC000  }
0x26: {  	[spmem:s6] =	stream.linear.scatter [tilespmem:s14], [sflag:$0x2], $0x4000, $0x38;
	[tilespmem:$0x17D00] =	vst v63  }
0x27: {  	_ =	swait.ge [sflag:s15], $0x4000  }
0x28: {  	[sflag:s15] =	ssyncset.done $0x0  }
0x29: {  	[sflag:s15] =	ssyncadd.s32 $0xFFFFC000  }
0x2a: {  	[spmem:s7] =	stream.linear.scatter [tilespmem:s14], [sflag:$0x2], $0x4000, $0x38;
	[tilespmem:$0x17D00] =	vst v63  }
0x2b: {  	_ =	swait.ge [sflag:s15], $0x4000  }
0x2c: {  	[sflag:s15] =	ssyncset.done $0x0  }
0x2d: {  	[sflag:s15] =	ssyncadd.s32 $0xFFFFC000  }
0x2e: {  	[spmem:s8] =	stream.linear.scatter [tilespmem:s14], [sflag:$0x2], $0x4000, $0x38;
	[tilespmem:$0x17D00] =	vst v63  }
0x2f: {  	_ =	swait.ge [sflag:s15], $0x4000  }
0x30: {  	[sflag:s15] =	ssyncset.done $0x0  }
0x31: {  	[sflag:s15] =	ssyncadd.s32 $0xFFFFC000  }
0x32: {  	[spmem:s9] =	stream.linear.scatter [tilespmem:s14], [sflag:$0x2], $0x3C00, $0x38;
	[tilespmem:$0x17D00] =	vst v63  }
0x33: {  	_ =	swait.ge [sflag:s15], $0x3C00  }
0x34: {  	[sflag:s15] =	ssyncset.done $0x0  }
0x35: {  	[sflag:s15] =	ssyncadd.s32 $0xFFFFC400  }
0x36: {  	s30 =	sadd.s32 $0x0, s13;
	[bflag:$0x0] =	sbarrier.arrive $0xFFFF  }
0x37: {  	[tilespmem:s4], [sflag:$0x2] =	stream.linear.gather [hbm4b:s30+s4], $0x80, $0x38;
	[tilespmem:$0x17D00] =	vst v63  }
0x38: {  	_ =	swait.ge [sflag:s15], $0x80  }
0x39: {  	[sflag:s15] =	ssyncset.done $0x0  }
0x3a: {  	s31 =	sadd.s32 $0x0, s12;
	[sflag:s15] =	ssyncadd.s32 $0xFFFFFF80  }
0x3b: {  	[tilespmem:s16], [sflag:$0x2] =	stream.linear.gather [hbm4b:s31+s4], $0x80, $0x38;
	[tilespmem:$0x17D00] =	vst v63  }
0x3c: {  	_ =	swait.ge [sflag:s15], $0x80  }
0x3d: {  	[sflag:s15] =	ssyncset.done $0x0  }
0x3e: {  	[sflag:s15] =	ssyncadd.s32 $0xFFFFFF80  }
0x3f: {  	[tilespmem:s14], [sflag:$0x1] =	stream.indirect.gather [hbm4b:s0+s16], $0x80, s4, s16, $0xb8;
	[tilespmem:$0x17D00] =	vst v63  }
0x40: {  	_ =	swait.ge [sflag:s17], $0x4000  }
0x41: {  	[sflag:s17] =	ssyncset.done $0x0  }
0x42: {  	[sflag:s17] =	ssyncadd.s32 $0xFFFFC000  }
0x43: {  	[spmem:s3] =	stream.indirect.scatter.add.f32 [tilespmem:s14], [sflag:$0x2], $0x80, s16, s16, $0xb8;
	[tilespmem:$0x17D00] =	vst v63  }
0x44: {  	_ =	swait.ge [sflag:s15], $0x4000  }
0x45: {  	s21 =	simm.s32 $0x10;
	s22 =	simm.s32 $0x20;
	[sflag:s15] =	ssyncset.done $0x0  }
.LBB2_4:
0x46: {  	s23 =	sadd.s32 s21, s13  }
0x47: {  	[sflag:s15] =	ssyncadd.s32 $0xFFFFC000;
	s24 =	smov.u32 s22;
	s25 =	sadd.s32 $0x10, s22  }
0x48: {  	[tilespmem:s4], [sflag:$0x2] =	stream.linear.gather [hbm4b:s23+s4], $0x80, $0x38;
	[tilespmem:$0x17D00] =	vst v63  }
0x49: {  	p0 =	sne.s32 s22, $0x4E0;
	_ =	swait.ge [sflag:s15], $0x80  }
0x4a: {  	[sflag:s15] =	ssyncset.done $0x0  }
0x4b: {  	s22 =	sadd.s32 s21, s12;
	s21 =	smov.u32 s24;
	[sflag:s15] =	ssyncadd.s32 $0xFFFFFF80  }
0x4c: {  	[tilespmem:s16], [sflag:$0x2] =	stream.linear.gather [hbm4b:s22+s4], $0x80, $0x38;
	[tilespmem:$0x17D00] =	vst v63  }
0x4d: {  	_ =	swait.ge [sflag:s15], $0x80  }
0x4e: {  	[sflag:s15] =	ssyncset.done $0x0  }
0x4f: {  	[sflag:s15] =	ssyncadd.s32 $0xFFFFFF80  }
0x50: {  	[tilespmem:s14], [sflag:$0x1] =	stream.indirect.gather [hbm4b:s0+s16], $0x80, s4, s16, $0xb8;
	[tilespmem:$0x17D00] =	vst v63  }
0x51: {  	_ =	swait.ge [sflag:s17], $0x4000  }
.Ltmp1:
0x52: {  	[sflag:s17] =	ssyncset.done $0x0;
	(pc) =	sbr.rel @p0 .LBB2_4-.Ltmp1, $4  }
0x53: {  	[sflag:s17] =	ssyncadd.s32 $0xFFFFC000  }
0x54: {  	[spmem:s3] =	stream.indirect.scatter.add.f32 [tilespmem:s14], [sflag:$0x2], $0x80, s16, s16, $0xb8;
	[tilespmem:$0x17D00] =	vst v63  }
0x55: {  	_ =	swait.ge [sflag:s15], $0x4000  }
0x56: {  	s22 =	smov.u32 s25;
	[sflag:s15] =	ssyncset.done $0x0  }
0x57: {  	s22 =	sadd.s32 s21, s13;
	[sflag:s15] =	ssyncadd.s32 $0xFFFFC000  }
0x58: {  	[tilespmem:s4], [sflag:$0x2] =	stream.linear.gather [hbm4b:s22+s4], $0x80, $0x38;
	[tilespmem:$0x17D00] =	vst v63  }
0x59: {  	_ =	swait.ge [sflag:s15], $0x80  }
0x5a: {  	[sflag:s15] =	ssyncset.done $0x0  }
0x5b: {  	s31 =	sadd.s32 s21, s12;
	[sflag:s15] =	ssyncadd.s32 $0xFFFFFF80  }
0x5c: {  	[tilespmem:s16], [sflag:$0x2] =	stream.linear.gather [hbm4b:s31+s4], $0x80, $0x38;
	[tilespmem:$0x17D00] =	vst v63  }
0x5d: {  	_ =	swait.ge [sflag:s15], $0x80  }
0x5e: {  	[sflag:s15] =	ssyncset.done $0x0  }
0x5f: {  	[sflag:s15] =	ssyncadd.s32 $0xFFFFFF80  }
0x60: {  	[tilespmem:s14], [sflag:$0x1] =	stream.indirect.gather [hbm4b:s0+s16], $0x80, s4, s16, $0xb8;
	[tilespmem:$0x17D00] =	vst v63  }
0x61: {  	_ =	swait.ge [sflag:s17], $0x4000  }
0x62: {  	[sflag:s17] =	ssyncset.done $0x0  }
0x63: {  	[sflag:s17] =	ssyncadd.s32 $0xFFFFC000  }
0x64: {  	[spmem:s3] =	stream.indirect.scatter.add.f32 [tilespmem:s14], [sflag:$0x2], $0x80, s16, s16, $0xb8;
	[tilespmem:$0x17D00] =	vst v63  }
0x65: {  	_ =	swait.ge [sflag:s15], $0x4000  }
0x66: {  	s20 =	sadd.s32 $0x1, s20;
	[sflag:s15] =	ssyncset.done $0x0  }
0x67: {  	p0 =	sne.s32 s20, s11;
	[sflag:s15] =	ssyncadd.s32 $0xFFFFC000  }
.Ltmp2:
0x68: {  	[bflag:$0x0] =	sbarrier.arrive $0xFFFF;
	(pc) =	sbr.rel @p0 .LBB2_1-.Ltmp2, $4  }
0x69: {  	[hbm:s10], [sflag:s18] =	dma.local [spmem:s19], $0x2780  }
0x6a: {  	_ =	swait.ge [sflag:s15], $0x2780  }
0x6b: {  	[sflag:s15] =	ssyncset.done $0x0  }
0x6c: {  	[sflag:s15] =	ssyncadd.s32 $0xFFFFD880  }
0x6d: {  	_ =	sfence.sel $0x180000  }
0x6e: {  	[bflag:$0x0] =	sbarrier.arrive $0xFFFF  }
0x6f: {  	p0 =	sne.s32 s2, $0x0;
	_ =	strace $0x90000047  }
0x70: {  	s0 =	sadd.s32 @!p0 $0x100000, s1;
	[bflag:$0x2] =	sbarrier.arrive $0xFFFF  }
0x71: {  	[sflag:s0] =	ssyncadd.tile.s32 @!p0 $0x1;
	_ =	shalt  }
.Lfunc_end2:
_tile_overlayer_lowered:
.L_overlay_start_2:
0x72: {  	(tag) =	ssettag $0x2  }
0x73: {  	s0 =	rddreg [dreg:$0x0];
	s2 =	stileid.u32  }
0x74: {  	s1 =	rddreg [dreg:$0x1];
	p0 =	sne.s32 s2, $0x0  }
0x75: {  	s3 =	rddreg [dreg:$0x2];
	[bflag:$0x3] =	sbarrier.arrive $0xFFFF;
	s2 =	simm.s32 @!p0 $0x1C02  }
0x76: {  	[timem:s3], [sflag:s2] =	dma.local @!p0 [hbm:s0], s1  }
0x77: {  	s0 =	simm.s32 @!p0 $0x2  }
0x78: {  	_ =	swait.ge @!p0 [sflag:s0], s1  }
0x79: {  	s1 =	ssub.s32 @!p0 $0x0, s1;
	[sflag:s0] =	ssyncset.done @!p0 $0x0  }
0x7a: {  	[sflag:s0] =	ssyncadd.s32 @!p0 s1  }
0x7b: {  	[bflag:$0x3] =	sbarrier.arrive $0xFFFF  }
0x7c: {  	_ =	shalt  }

// kernel: kernel.13.cloned.1.call-start
scs
__scs_entry_jumppad:
0x0: {  	(pc) =	sbr.rel $0x88, $3  }
0x1: {  	(tag) =	ssettag $0x0;
	lr =	simm.s32 $0x1  }
0x2: {  	[smem:$0x3F95] =	sst lr;
	_ =	strace $0xD0000000  }
0x3: {  	_ = 	snop  }
0x4: {  	_ = 	snop  }
0x5: {  	_ = 	snop  }
0x6: {  	_ = 	snop  }
0x7: {  	_ = 	snop  }
__scs_overlays_trampoline_lowered:
0x8: {  	[smem:$0x3FA4] =	sst s0  }
0x9: {  	[smem:$0x3FA5] =	sst s1  }
0xa: {  	[smem:$0x3FA6] =	sst s2  }
0xb: {  	[smem:$0x3FA7] =	sst s3  }
0xc: {  	[smem:$0x3FA8] =	sst s4  }
0xd: {  	[smem:$0x3FA9] =	sst s5  }
0xe: {  	[smem:$0x3FAA] =	sst s6  }
0xf: {  	[smem:$0x3FAB] =	sst s7  }
0x10: {  	[smem:$0x3FAC] =	sst s8  }
0x11: {  	[smem:$0x3FAD] =	sst s9;
	s0 =	simm.s32 @!p0 $0x0  }
0x12: {  	s1 =	sld [smem:$0x3F93];
	s0 =	simm.s32 @p0 $0x1  }
0x13: {  	[smem:$0x3FAE] =	sst s0;
	s0 =	simm.s32 @!p1 $0x0  }
0x14: {  	s2 =	sld [smem:$0x3F92];
	s0 =	simm.s32 @p1 $0x1  }
0x15: {  	[smem:$0x3FAF] =	sst s0;
	s0 =	simm.s32 @!p2 $0x0  }
0x16: {  	s3 =	sld [smem:$0x3FDB];
	s0 =	simm.s32 @p2 $0x1  }
0x17: {  	s4 =	simm.s32 $0x1BF5;
	[smem:$0x3FB1] =	sst s0  }
0x18: {  	s0 =	sld [smem:$0x3F94];
	_ =	swait.ge [sflag:s4], $0x0  }
0x19: {  	s7 =	sld [smem:$0x3F95]  }
0x1a: {  	s8 =	sadd.s32 $0xFFFFE003, lr  }
0x1b: {  	s9 =	sadd.s32 $0xFFFFFEF7, lr;
	s5 =	simm.s32 $0xFFFFFFFF;
	p2 =	slt.u32 s8, $0xFFFFF086  }
0x1c: {  	p1 =	slt.u32 s9, $0xF7A;
	s5 =	simm.s32 @!p2 $0x0  }
0x1d: {  	s5 =	simm.s32 @p1 $0x1;
	p0 =	seq.s32 s7, s2  }
0x1e: {  	s7 =	smul.u32 @!p0 $0xF7A, s2;
	p2 =	seq.s32 @!p0 s5, $0x0  }
0x1f: {  	s9 =	smul.u32 $0xF7A, s1;
	s8 =	simm.s32 @!p0 $0x1BF5;
	p2 =	por !p2, p0  }
0x20: {  	[sflag:s8] =	ssyncset.s32 @!p0 $0xFFFFF086;
	s6 =	sadd.s32 @!p0 s3, s7;
	s7 =	simm.s32 @!p0 $0x108  }
0x21: {  	s3 =	sadd.s32 s3, s9;
	s6 =	sadd.s32 @!p0 $0x88, s6;
	s7 =	simm.s32 @p2 $0x1082  }
0x22: {  	[simem:s7], [sflag:s8] =	dma.local @!p0 [hbm:s6], $0xF7A  }
0x23: {  	s9 =	sor.u32 $0xD0000000, s2;
	s6 =	simm.s32 $0x108;
	_ =	swait.ge @!p0 [sflag:s8], $0x0  }
0x24: {  	s3 =	sadd.s32 $0x88, s3;
	s6 =	simm.s32 @!p1 $0x1082;
	[sflag:s4] =	ssyncset.s32 $0xFFFFF086  }
0x25: {  	[simem:s6], [sflag:s4] =	dma.local [hbm:s3], $0xF7A  }
0x26: {  	[smem:$0x3F95] =	sst s1;
	(tag) =	ssettag s2;
	_ =	strace s9  }
0x27: {  	s1 =	sld [smem:$0x3FA5]  }
0x28: {  	s2 =	sld [smem:$0x3FA6]  }
0x29: {  	s4 =	sld [smem:$0x3FA8]  }
0x2a: {  	p0 =	seq.s32 s5, $0x0;
	s5 =	sld [smem:$0x3FA9]  }
0x2b: {  	s6 =	sld [smem:$0x3FAA]  }
0x2c: {  	s7 =	sld [smem:$0x3FAB]  }
0x2d: {  	s3 =	simm.s32 $0x108;
	s8 =	sld [smem:$0x3FAC]  }
0x2e: {  	s3 =	simm.s32 @!p0 $0x1082;
	s9 =	sld [smem:$0x3FAD]  }
0x2f: {  	lr =	sadd.s32 s0, s3;
	s0 =	sld [smem:$0x3FA4]  }
0x30: {  	s3 =	sld [smem:$0x3FA7]  }
0x31: {  	[smem:$0x3FB0] =	sst s10  }
0x32: {  	s10 =	sld [smem:$0x3FAE];
	_ =	sdelay $0x3  }
0x33: {  	p0 =	seq.s32 s10, $0x1;
	s10 =	sld [smem:$0x3FB0];
	_ =	sdelay $0x3  }
0x34: {  	[smem:$0x3FB0] =	sst s10  }
0x35: {  	s10 =	sld [smem:$0x3FAF];
	_ =	sdelay $0x3  }
0x36: {  	p1 =	seq.s32 s10, $0x1;
	s10 =	sld [smem:$0x3FB0];
	_ =	sdelay $0x3  }
0x37: {  	[smem:$0x3FB0] =	sst s10  }
0x38: {  	s10 =	sld [smem:$0x3FB1]  }
0x39: {  	_ = 	snop;
	(pc) =	sbr.ind lr, $3  }
0x3a: {  	_ = 	snop  }
0x3b: {  	_ = 	snop  }
0x3c: {  	p2 =	seq.s32 s10, $0x1;
	s10 =	sld [smem:$0x3FB0]  }
0x3d: {  	_ =	shalt  }
0x3e: {  	_ =	shalt  }
0x3f: {  	_ =	shalt  }
0x40: {  	_ =	shalt  }
0x41: {  	_ =	shalt  }
0x42: {  	_ =	shalt  }
0x43: {  	_ =	shalt  }
0x44: {  	_ =	shalt  }
0x45: {  	_ =	shalt  }
0x46: {  	_ =	shalt  }
0x47: {  	_ =	shalt  }
0x48: {  	_ =	shalt  }
0x49: {  	_ =	shalt  }
0x4a: {  	_ =	shalt  }
0x4b: {  	_ =	shalt  }
0x4c: {  	_ =	shalt  }
0x4d: {  	_ =	shalt  }
0x4e: {  	_ =	shalt  }
0x4f: {  	_ =	shalt  }
0x50: {  	_ =	shalt  }
0x51: {  	_ =	shalt  }
0x52: {  	_ =	shalt  }
0x53: {  	_ =	shalt  }
0x54: {  	_ =	shalt  }
0x55: {  	_ =	shalt  }
0x56: {  	_ =	shalt  }
0x57: {  	_ =	shalt  }
0x58: {  	_ =	shalt  }
0x59: {  	_ =	shalt  }
0x5a: {  	_ =	shalt  }
0x5b: {  	_ =	shalt  }
0x5c: {  	_ =	shalt  }
0x5d: {  	_ =	shalt  }
0x5e: {  	_ =	shalt  }
0x5f: {  	_ =	shalt  }
0x60: {  	_ =	shalt  }
0x61: {  	_ =	shalt  }
0x62: {  	_ =	shalt  }
0x63: {  	_ =	shalt  }
0x64: {  	_ =	shalt  }
0x65: {  	_ =	shalt  }
0x66: {  	_ =	shalt  }
0x67: {  	_ =	shalt  }
0x68: {  	_ =	shalt  }
0x69: {  	_ =	shalt  }
0x6a: {  	_ =	shalt  }
0x6b: {  	_ =	shalt  }
0x6c: {  	_ =	shalt  }
0x6d: {  	_ =	shalt  }
0x6e: {  	_ =	shalt  }
0x6f: {  	_ =	shalt  }
0x70: {  	_ =	shalt  }
0x71: {  	_ =	shalt  }
0x72: {  	_ =	shalt  }
0x73: {  	_ =	shalt  }
0x74: {  	_ =	shalt  }
0x75: {  	_ =	shalt  }
0x76: {  	_ =	shalt  }
0x77: {  	_ =	shalt  }
0x78: {  	_ =	shalt  }
0x79: {  	_ =	shalt  }
0x7a: {  	_ =	shalt  }
0x7b: {  	_ =	shalt  }
0x7c: {  	_ =	shalt  }
0x7d: {  	_ =	shalt  }
0x7e: {  	_ =	shalt  }
0x7f: {  	_ =	shalt  }
0x80: {  	_ =	shalt  }
0x81: {  	_ =	shalt  }
0x82: {  	_ =	shalt  }
0x83: {  	_ =	shalt  }
0x84: {  	_ =	shalt  }
0x85: {  	_ =	shalt  }
0x86: {  	_ =	shalt  }
0x87: {  	_ =	shalt  }
.Lfunc_end0:
.L_simem_size_0:
called_computation.1_lowered:
.L_overlay_start_0:
0x88: {  	s2 =	sld [smem:$0x3FD9]  }
0x89: {  	s3 =	sld [smem:$0x3FFE];
	_ =	sdelay $0x1  }
0x8a: {  	s1 =	srdreg.scid  }
0x8b: {  	s0 =	sand.u32 $0x1, s1  }
0x8c: {  	s17 =	sshll.u32 s0, $0xA;
	s2 =	sadd.s32 s3, s2  }
0x8d: {  	s2 =	sadd.s32 s2, s17  }
0x8e: {  	[smem:$0x3FBC] =	sst s2  }
0x8f: {  	_ = 	snop  }
0x90: {  	s2 =	sld [smem:$0x3FD0];
	(tm) =	ssettm $0x1  }
0x91: {  	s18 =	sld [smem:$0x3FFB];
	_ =	sdelay $0x3  }
0x92: {  	_ =	strace s18  }
0x93: {  	s3 =	sld [smem:$0x3FFC];
	_ =	sdelay $0x3  }
0x94: {  	_ =	strace s3  }
0x95: {  	s3 =	sld [smem:$0x3FFD];
	_ =	sdelay $0x3  }
0x96: {  	_ =	strace s3  }
0x97: {  	_ =	strace $0x8FFFFFFF  }
0x98: {  	s19 =	sld [smem:$0x3FDB];
	_ =	sdelay $0x1  }
0x99: {  	s4 =	simm.s32 $_scs_section_size  }
0x9a: {  	s5 =	simm.s32 $_size__tile_overlayer_lowered;
	s6 =	simm.s32 $_tile_overlayer_lowered  }
0x9b: {  	s22 =	simm.s32 $0x1BFF;
	s21 =	sshll.u32 s6, $0x1;
	s3 =	sadd.s32 s4, s19  }
0x9c: {  	s7 =	simm.s32 $0x0;
	s20 =	sshll.u32 s5, $0x1;
	s5 =	sadd.s32 s21, s3  }
0x9d: {  	[timem:s7], [sflag:s22] =	dma.local [hbm:s5], s20  }
0x9e: {  	_ =	swait.ge [sflag:s22], s20  }
0x9f: {  	s4 =	ssub.s32 $0x0, s20;
	[sflag:s22] =	ssyncset.done $0x0  }
0xa0: {  	[sflag:s22] =	ssyncadd.s32 s4;
	_ =	sdelay $0x1  }
0xa1: {  	s23 =	simm.s32 $0x1B8B  }
0xa2: {  	_ =	swait.ge [sflag:s23], $0x1  }
0xa3: {  	[sflag:s23] =	ssyncset.done $0x0  }
0xa4: {  	s25 =	simm.s32 $0x1B8E;
	s24 =	sld [smem:$0x3FFE];
	[sflag:s23] =	ssyncadd.s32 $0xFFFFFFFF  }
0xa5: {  	s26 =	simm.s32 $execute0_lowered;
	[smem:$0x3FD2] =	sst s25  }
0xa6: {  	s5 =	sshll.u32 s26, $0x1;
	_ =	strace $0x80000049;
	[dreg:$0x1] =	wrdreg $0xFFFFFFFF  }
0xa7: {  	s28 =	simm.s32 $_size_execute0_lowered;
	s3 =	sadd.s32 s3, s5;
	[dreg:$0x0] =	wrdreg $0x0  }
0xa8: {  	s5 =	sshll.u32 s28, $0x1;
	[dreg:$0x2] =	wrdreg s3  }
0xa9: {  	[dreg:$0x3] =	wrdreg s5  }
0xaa: {  	[dreg:$0x4] =	wrdreg $0xC0  }
0xab: {  	_ =	task [dreg:s7], $0x5FFFF  }
0xac: {  	[dreg:$0x1] =	wrdreg $0xFFFFFFFF  }
0xad: {  	[dreg:$0x0] =	wrdreg $0x60  }
0xae: {  	[dreg:$0x2] =	wrdreg s24  }
0xaf: {  	[dreg:$0x3] =	wrdreg s2  }
0xb0: {  	[dreg:$0x4] =	wrdreg $0x41000  }
0xb1: {  	[dreg:$0x5] =	wrdreg $0x9  }
0xb2: {  	_ =	task.clear_ibuf [dreg:s7], $0x6FFFF;
	_ =	strace $0x90000049  }
0xb3: {  	s29 =	simm.s32 $0x9;
	_ =	strace $0x8000004B  }
0xb4: {  	_ =	swait.ge [sflag:s29], $0x1  }
0xb5: {  	[sflag:s29] =	ssyncadd.s32 $0xFFFFFFFF  }
0xb6: {  	_ =	strace $0x9000004B  }
0xb7: {  	_ =	sfence  }
0xb8: {  	s30 =	sld [smem:$0x0];
	_ =	sdelay $0x2  }
0xb9: {  	s31 =	sshll.u32 s1, $0xD;
	s1 =	sshrl.u32 s1, $0x2  }
0xba: {  	s3 =	sand.u32 $0x4000, s31;
	s1 =	sadd.s32 s1, s30  }
0xbb: {  	s0 =	sor.u32 s3, s0;
	s1 =	sshll.u32 s1, $0x11  }
0xbc: {  	s0 =	sor.u32 s1, s0  }
0xbd: {  	s0 =	sadd.s32 $0x8F2B, s0  }
0xbe: {  	[sflag:s0] =	ssyncadd.remote.s32 $0x1  }
0xbf: {  	_ =	sfence.sel $0xFFFF  }
0xc0: {  	[dreg:$0x0] =	wrdreg $0xFFFFFFFF;
	(pc) =	sbr.abs _section_cstart, $3  }
0xc1: {  	[dreg:$0x1] =	wrdreg $0xFFFFFFFF  }
0xc2: {  	_ =	task.clear_ibuf [dreg:s7], $0x2FFFF;
	_ =	strace $0x9FFFFFFF  }
0xc3: {  	(tm) =	ssettm $0x7FFFFFFF  }
tec
execute0_lowered:
.L_overlay_start_1:
0x0: {  	(tag) =	ssettag $0x1  }
0x1: {  	s5 =	rddreg [dreg:$0x0]  }
0x2: {  	s13 =	rddreg [dreg:$0x1]  }
0x3: {  	s0 =	srdreg.scid;
	s1 =	stileid.u32  }
0x4: {  	s2 =	rddreg [dreg:$0x2];
	s7 =	smul.u32 $0x2780, s1  }
0x5: {  	s3 =	simm.s32 $0x0;
	s17 =	simm.s32 $0x1;
	s9 =	smul.u32 $0x4F000, s1  }
0x6: {  	s6 =	sand.u32 $0x1, s0;
	s0 =	rddreg [dreg:$0x3];
	s15 =	smul.u32 $0x4F0, s1  }
0x7: {  	s20 =	simm.s32 $0x0;
	[smem:$0x7FF] =	sst s3;
	s14 =	smul.u32 $0x4F00, s6  }
0x8: {  	s4 =	sadd.s32 $0xDE00, s5;
	s18 =	sshll.u32 s1, $0x6;
	s8 =	smul.u32 $0x27800, s6  }
0x9: {  	_ =	strace $0x8000004A;
	s6 =	ssub.s32 $0x2, s6;
	s18 =	sor.u32 $0x1C02, s18  }
0xa: {  	s30 =	sshrl.u32 s6, $0x1;
	s31 =	sshrl.u32 s9, $0x2;
	s11 =	sadd.s32 s14, s5  }
0xb: {  	s7 =	sadd.s32 s7, s8;
	s12 =	ssub.s32 s6, s30;
	s13 =	sadd.s32 s14, s13  }
0xc: {  	s14 =	simm.s32 $0x100;
	s10 =	sadd.s32 s7, s5;
	s5 =	sadd.s32 s31, s2  }
0xd: {  	s16 =	sadd.s32 s15, s11;
	s11 =	smax.u32 s12, $0x1;
	s13 =	sadd.s32 s15, s13  }
0xe: {  	s15 =	simm.s32 $0x2;
	s6 =	sadd.s32 $0x4000, s5;
	s7 =	sadd.s32 $0x8000, s5  }
0xf: {  	s8 =	sadd.s32 $0xC000, s5;
	s9 =	sadd.s32 $0x10000, s5;
	s10 =	sadd.s32 $0x35000, s10  }
0x10: {  	v0 =	vimm.f32 $0.0e+00;
	s12 =	sadd.s32 $0x4000, s16;
	s16 =	simm.s32 $0x80;
	s19 =	sshrl.u32 s5, $0x3  }
.LBB2_1:
0x11: {  	s21 =	simm.s32 $0x0;
	s22 =	simm.s32 $0x200  }
.LBB2_2:
0x12: {  	p0 =	sne.s32 s22, $0xFE00;
	[tilespmem:s21+$0x170] =	vst v0  }
0x13: {  	[tilespmem:s21+$0x100] =	vst v0  }
0x14: {  	[tilespmem:s21+$0x110] =	vst v0  }
.Ltmp0:
0x15: {  	[tilespmem:s21+$0x120] =	vst v0;
	(pc) =	sbr.rel @p0 .LBB2_2-.Ltmp0, $4  }
0x16: {  	[tilespmem:s21+$0x130] =	vst v0  }
0x17: {  	[tilespmem:s21+$0x140] =	vst v0  }
0x18: {  	[tilespmem:s21+$0x150] =	vst v0  }
0x19: {  	[tilespmem:s21+$0x160] =	vst v0;
	s21 =	sshra.s32 s22, $0x2;
	s22 =	sadd.s32 $0x200, s22  }
0x1a: {  	[tilespmem:s21+$0x170] =	vst v0  }
0x1b: {  	[tilespmem:s21+$0x100] =	vst v0  }
0x1c: {  	[tilespmem:s21+$0x110] =	vst v0  }
0x1d: {  	[tilespmem:s21+$0x120] =	vst v0  }
0x1e: {  	[tilespmem:s21+$0x130] =	vst v0  }
0x1f: {  	[tilespmem:s21+$0x140] =	vst v0  }
0x20: {  	[tilespmem:s21+$0x150] =	vst v0  }
0x21: {  	[tilespmem:s21+$0x160] =	vst v0  }
0x22: {  	[spmem:s5] =	stream.linear.scatter [tilespmem:s14], [sflag:$0x2], $0x4000, $0x38;
	[tilespmem:$0x17D00] =	vst v63  }
0x23: {  	_ =	swait.ge [sflag:s15], $0x4000  }
0x24: {  	[sflag:s15] =	ssyncset.done $0x0  }
0x25: {  	[sflag:s15] =	ssyncadd.s32 $0xFFFFC000  }
0x26: {  	[spmem:s6] =	stream.linear.scatter [tilespmem:s14], [sflag:$0x2], $0x4000, $0x38;
	[tilespmem:$0x17D00] =	vst v63  }
0x27: {  	_ =	swait.ge [sflag:s15], $0x4000  }
0x28: {  	[sflag:s15] =	ssyncset.done $0x0  }
0x29: {  	[sflag:s15] =	ssyncadd.s32 $0xFFFFC000  }
0x2a: {  	[spmem:s7] =	stream.linear.scatter [tilespmem:s14], [sflag:$0x2], $0x4000, $0x38;
	[tilespmem:$0x17D00] =	vst v63  }
0x2b: {  	_ =	swait.ge [sflag:s15], $0x4000  }
0x2c: {  	[sflag:s15] =	ssyncset.done $0x0  }
0x2d: {  	[sflag:s15] =	ssyncadd.s32 $0xFFFFC000  }
0x2e: {  	[spmem:s8] =	stream.linear.scatter [tilespmem:s14], [sflag:$0x2], $0x4000, $0x38;
	[tilespmem:$0x17D00] =	vst v63  }
0x2f: {  	_ =	swait.ge [sflag:s15], $0x4000  }
0x30: {  	[sflag:s15] =	ssyncset.done $0x0  }
0x31: {  	[sflag:s15] =	ssyncadd.s32 $0xFFFFC000  }
0x32: {  	[spmem:s9] =	stream.linear.scatter [tilespmem:s14], [sflag:$0x2], $0x3C00, $0x38;
	[tilespmem:$0x17D00] =	vst v63  }
0x33: {  	_ =	swait.ge [sflag:s15], $0x3C00  }
0x34: {  	[sflag:s15] =	ssyncset.done $0x0  }
0x35: {  	[sflag:s15] =	ssyncadd.s32 $0xFFFFC400  }
0x36: {  	s30 =	sadd.s32 $0x0, s13;
	[bflag:$0x0] =	sbarrier.arrive $0xFFFF  }
0x37: {  	[tilespmem:s3], [sflag:$0x2] =	stream.linear.gather [hbm4b:s30+s3], $0x80, $0x38;
	[tilespmem:$0x17D00] =	vst v63  }
0x38: {  	_ =	swait.ge [sflag:s15], $0x80  }
0x39: {  	[sflag:s15] =	ssyncset.done $0x0  }
0x3a: {  	s31 =	sadd.s32 $0x0, s12;
	[sflag:s15] =	ssyncadd.s32 $0xFFFFFF80  }
0x3b: {  	[tilespmem:s16], [sflag:$0x2] =	stream.linear.gather [hbm4b:s31+s3], $0x80, $0x38;
	[tilespmem:$0x17D00] =	vst v63  }
0x3c: {  	_ =	swait.ge [sflag:s15], $0x80  }
0x3d: {  	[sflag:s15] =	ssyncset.done $0x0  }
0x3e: {  	[sflag:s15] =	ssyncadd.s32 $0xFFFFFF80  }
0x3f: {  	[tilespmem:s14], [sflag:$0x1] =	stream.indirect.gather [hbm4b:s4+s16], $0x80, s3, s16, $0xb8;
	[tilespmem:$0x17D00] =	vst v63  }
0x40: {  	_ =	swait.ge [sflag:s17], $0x4000  }
0x41: {  	[sflag:s17] =	ssyncset.done $0x0  }
0x42: {  	[sflag:s17] =	ssyncadd.s32 $0xFFFFC000  }
0x43: {  	[spmem:s2] =	stream.indirect.scatter.add.f32 [tilespmem:s14], [sflag:$0x2], $0x80, s16, s16, $0xb8;
	[tilespmem:$0x17D00] =	vst v63  }
0x44: {  	_ =	swait.ge [sflag:s15], $0x4000  }
0x45: {  	s21 =	simm.s32 $0x10;
	s22 =	simm.s32 $0x20;
	[sflag:s15] =	ssyncset.done $0x0  }
.LBB2_4:
0x46: {  	s23 =	sadd.s32 s21, s13  }
0x47: {  	[sflag:s15] =	ssyncadd.s32 $0xFFFFC000;
	s24 =	smov.u32 s22;
	s25 =	sadd.s32 $0x10, s22  }
0x48: {  	[tilespmem:s3], [sflag:$0x2] =	stream.linear.gather [hbm4b:s23+s3], $0x80, $0x38;
	[tilespmem:$0x17D00] =	vst v63  }
0x49: {  	p0 =	sne.s32 s22, $0x4E0;
	_ =	swait.ge [sflag:s15], $0x80  }
0x4a: {  	[sflag:s15] =	ssyncset.done $0x0  }
0x4b: {  	s22 =	sadd.s32 s21, s12;
	s21 =	smov.u32 s24;
	[sflag:s15] =	ssyncadd.s32 $0xFFFFFF80  }
0x4c: {  	[tilespmem:s16], [sflag:$0x2] =	stream.linear.gather [hbm4b:s22+s3], $0x80, $0x38;
	[tilespmem:$0x17D00] =	vst v63  }
0x4d: {  	_ =	swait.ge [sflag:s15], $0x80  }
0x4e: {  	[sflag:s15] =	ssyncset.done $0x0  }
0x4f: {  	[sflag:s15] =	ssyncadd.s32 $0xFFFFFF80  }
0x50: {  	[tilespmem:s14], [sflag:$0x1] =	stream.indirect.gather [hbm4b:s4+s16], $0x80, s3, s16, $0xb8;
	[tilespmem:$0x17D00] =	vst v63  }
0x51: {  	_ =	swait.ge [sflag:s17], $0x4000  }
.Ltmp1:
0x52: {  	[sflag:s17] =	ssyncset.done $0x0;
	(pc) =	sbr.rel @p0 .LBB2_4-.Ltmp1, $4  }
0x53: {  	[sflag:s17] =	ssyncadd.s32 $0xFFFFC000  }
0x54: {  	[spmem:s2] =	stream.indirect.scatter.add.f32 [tilespmem:s14], [sflag:$0x2], $0x80, s16, s16, $0xb8;
	[tilespmem:$0x17D00] =	vst v63  }
0x55: {  	_ =	swait.ge [sflag:s15], $0x4000  }
0x56: {  	s22 =	smov.u32 s25;
	[sflag:s15] =	ssyncset.done $0x0  }
0x57: {  	s22 =	sadd.s32 s21, s13;
	[sflag:s15] =	ssyncadd.s32 $0xFFFFC000  }
0x58: {  	[tilespmem:s3], [sflag:$0x2] =	stream.linear.gather [hbm4b:s22+s3], $0x80, $0x38;
	[tilespmem:$0x17D00] =	vst v63  }
0x59: {  	_ =	swait.ge [sflag:s15], $0x80  }
0x5a: {  	[sflag:s15] =	ssyncset.done $0x0  }
0x5b: {  	s31 =	sadd.s32 s21, s12;
	[sflag:s15] =	ssyncadd.s32 $0xFFFFFF80  }
0x5c: {  	[tilespmem:s16], [sflag:$0x2] =	stream.linear.gather [hbm4b:s31+s3], $0x80, $0x38;
	[tilespmem:$0x17D00] =	vst v63  }
0x5d: {  	_ =	swait.ge [sflag:s15], $0x80  }
0x5e: {  	[sflag:s15] =	ssyncset.done $0x0  }
0x5f: {  	[sflag:s15] =	ssyncadd.s32 $0xFFFFFF80  }
0x60: {  	[tilespmem:s14], [sflag:$0x1] =	stream.indirect.gather [hbm4b:s4+s16], $0x80, s3, s16, $0xb8;
	[tilespmem:$0x17D00] =	vst v63  }
0x61: {  	_ =	swait.ge [sflag:s17], $0x4000  }
0x62: {  	[sflag:s17] =	ssyncset.done $0x0  }
0x63: {  	[sflag:s17] =	ssyncadd.s32 $0xFFFFC000  }
0x64: {  	[spmem:s2] =	stream.indirect.scatter.add.f32 [tilespmem:s14], [sflag:$0x2], $0x80, s16, s16, $0xb8;
	[tilespmem:$0x17D00] =	vst v63  }
0x65: {  	_ =	swait.ge [sflag:s15], $0x4000  }
0x66: {  	s20 =	sadd.s32 $0x1, s20;
	[sflag:s15] =	ssyncset.done $0x0  }
0x67: {  	p0 =	sne.s32 s20, s11;
	[sflag:s15] =	ssyncadd.s32 $0xFFFFC000  }
.Ltmp2:
0x68: {  	[bflag:$0x0] =	sbarrier.arrive $0xFFFF;
	(pc) =	sbr.rel @p0 .LBB2_1-.Ltmp2, $4  }
0x69: {  	[hbm:s10], [sflag:s18] =	dma.local [spmem:s19], $0x2780  }
0x6a: {  	_ =	swait.ge [sflag:s15], $0x2780  }
0x6b: {  	[sflag:s15] =	ssyncset.done $0x0  }
0x6c: {  	[sflag:s15] =	ssyncadd.s32 $0xFFFFD880  }
0x6d: {  	_ =	sfence.sel $0x180000  }
0x6e: {  	[bflag:$0x0] =	sbarrier.arrive $0xFFFF  }
0x6f: {  	p0 =	sne.s32 s1, $0x0;
	_ =	strace $0x9000004A  }
0x70: {  	s0 =	sadd.s32 @!p0 $0x100000, s0;
	[bflag:$0x2] =	sbarrier.arrive $0xFFFF  }
0x71: {  	[sflag:s0] =	ssyncadd.tile.s32 @!p0 $0x1;
	_ =	shalt  }
.Lfunc_end2:
_tile_overlayer_lowered:
.L_overlay_start_2:
0x72: {  	(tag) =	ssettag $0x2  }
0x73: {  	s0 =	rddreg [dreg:$0x0];
	s2 =	stileid.u32  }
0x74: {  	s1 =	rddreg [dreg:$0x1];
	p0 =	sne.s32 s2, $0x0  }
0x75: {  	s3 =	rddreg [dreg:$0x2];
	[bflag:$0x3] =	sbarrier.arrive $0xFFFF;
	s2 =	simm.s32 @!p0 $0x1C02  }
0x76: {  	[timem:s3], [sflag:s2] =	dma.local @!p0 [hbm:s0], s1  }
0x77: {  	s0 =	simm.s32 @!p0 $0x2  }
0x78: {  	_ =	swait.ge @!p0 [sflag:s0], s1  }
0x79: {  	s1 =	ssub.s32 @!p0 $0x0, s1;
	[sflag:s0] =	ssyncset.done @!p0 $0x0  }
0x7a: {  	[sflag:s0] =	ssyncadd.s32 @!p0 s1  }
0x7b: {  	[bflag:$0x3] =	sbarrier.arrive $0xFFFF  }
0x7c: {  	_ =	shalt  }

// kernel: kernel.16.cloned.1.call-start
scs
__scs_entry_jumppad:
0x0: {  	(pc) =	sbr.rel $0x88, $3  }
0x1: {  	(tag) =	ssettag $0x0;
	lr =	simm.s32 $0x1  }
0x2: {  	[smem:$0x3F95] =	sst lr;
	_ =	strace $0xD0000000  }
0x3: {  	_ = 	snop  }
0x4: {  	_ = 	snop  }
0x5: {  	_ = 	snop  }
0x6: {  	_ = 	snop  }
0x7: {  	_ = 	snop  }
__scs_overlays_trampoline_lowered:
0x8: {  	[smem:$0x3FA4] =	sst s0  }
0x9: {  	[smem:$0x3FA5] =	sst s1  }
0xa: {  	[smem:$0x3FA6] =	sst s2  }
0xb: {  	[smem:$0x3FA7] =	sst s3  }
0xc: {  	[smem:$0x3FA8] =	sst s4  }
0xd: {  	[smem:$0x3FA9] =	sst s5  }
0xe: {  	[smem:$0x3FAA] =	sst s6  }
0xf: {  	[smem:$0x3FAB] =	sst s7  }
0x10: {  	[smem:$0x3FAC] =	sst s8  }
0x11: {  	[smem:$0x3FAD] =	sst s9;
	s0 =	simm.s32 @!p0 $0x0  }
0x12: {  	s1 =	sld [smem:$0x3F93];
	s0 =	simm.s32 @p0 $0x1  }
0x13: {  	[smem:$0x3FAE] =	sst s0;
	s0 =	simm.s32 @!p1 $0x0  }
0x14: {  	s2 =	sld [smem:$0x3F92];
	s0 =	simm.s32 @p1 $0x1  }
0x15: {  	[smem:$0x3FAF] =	sst s0;
	s0 =	simm.s32 @!p2 $0x0  }
0x16: {  	s3 =	sld [smem:$0x3FDB];
	s0 =	simm.s32 @p2 $0x1  }
0x17: {  	s4 =	simm.s32 $0x1BF5;
	[smem:$0x3FB1] =	sst s0  }
0x18: {  	s0 =	sld [smem:$0x3F94];
	_ =	swait.ge [sflag:s4], $0x0  }
0x19: {  	s7 =	sld [smem:$0x3F95]  }
0x1a: {  	s8 =	sadd.s32 $0xFFFFE003, lr  }
0x1b: {  	s9 =	sadd.s32 $0xFFFFFEF7, lr;
	s5 =	simm.s32 $0xFFFFFFFF;
	p2 =	slt.u32 s8, $0xFFFFF086  }
0x1c: {  	p1 =	slt.u32 s9, $0xF7A;
	s5 =	simm.s32 @!p2 $0x0  }
0x1d: {  	s5 =	simm.s32 @p1 $0x1;
	p0 =	seq.s32 s7, s2  }
0x1e: {  	s7 =	smul.u32 @!p0 $0xF7A, s2;
	p2 =	seq.s32 @!p0 s5, $0x0  }
0x1f: {  	s9 =	smul.u32 $0xF7A, s1;
	s8 =	simm.s32 @!p0 $0x1BF5;
	p2 =	por !p2, p0  }
0x20: {  	[sflag:s8] =	ssyncset.s32 @!p0 $0xFFFFF086;
	s6 =	sadd.s32 @!p0 s3, s7;
	s7 =	simm.s32 @!p0 $0x108  }
0x21: {  	s3 =	sadd.s32 s3, s9;
	s6 =	sadd.s32 @!p0 $0x88, s6;
	s7 =	simm.s32 @p2 $0x1082  }
0x22: {  	[simem:s7], [sflag:s8] =	dma.local @!p0 [hbm:s6], $0xF7A  }
0x23: {  	s9 =	sor.u32 $0xD0000000, s2;
	s6 =	simm.s32 $0x108;
	_ =	swait.ge @!p0 [sflag:s8], $0x0  }
0x24: {  	s3 =	sadd.s32 $0x88, s3;
	s6 =	simm.s32 @!p1 $0x1082;
	[sflag:s4] =	ssyncset.s32 $0xFFFFF086  }
0x25: {  	[simem:s6], [sflag:s4] =	dma.local [hbm:s3], $0xF7A  }
0x26: {  	[smem:$0x3F95] =	sst s1;
	(tag) =	ssettag s2;
	_ =	strace s9  }
0x27: {  	s1 =	sld [smem:$0x3FA5]  }
0x28: {  	s2 =	sld [smem:$0x3FA6]  }
0x29: {  	s4 =	sld [smem:$0x3FA8]  }
0x2a: {  	p0 =	seq.s32 s5, $0x0;
	s5 =	sld [smem:$0x3FA9]  }
0x2b: {  	s6 =	sld [smem:$0x3FAA]  }
0x2c: {  	s7 =	sld [smem:$0x3FAB]  }
0x2d: {  	s3 =	simm.s32 $0x108;
	s8 =	sld [smem:$0x3FAC]  }
0x2e: {  	s3 =	simm.s32 @!p0 $0x1082;
	s9 =	sld [smem:$0x3FAD]  }
0x2f: {  	lr =	sadd.s32 s0, s3;
	s0 =	sld [smem:$0x3FA4]  }
0x30: {  	s3 =	sld [smem:$0x3FA7]  }
0x31: {  	[smem:$0x3FB0] =	sst s10  }
0x32: {  	s10 =	sld [smem:$0x3FAE];
	_ =	sdelay $0x3  }
0x33: {  	p0 =	seq.s32 s10, $0x1;
	s10 =	sld [smem:$0x3FB0];
	_ =	sdelay $0x3  }
0x34: {  	[smem:$0x3FB0] =	sst s10  }
0x35: {  	s10 =	sld [smem:$0x3FAF];
	_ =	sdelay $0x3  }
0x36: {  	p1 =	seq.s32 s10, $0x1;
	s10 =	sld [smem:$0x3FB0];
	_ =	sdelay $0x3  }
0x37: {  	[smem:$0x3FB0] =	sst s10  }
0x38: {  	s10 =	sld [smem:$0x3FB1]  }
0x39: {  	_ = 	snop;
	(pc) =	sbr.ind lr, $3  }
0x3a: {  	_ = 	snop  }
0x3b: {  	_ = 	snop  }
0x3c: {  	p2 =	seq.s32 s10, $0x1;
	s10 =	sld [smem:$0x3FB0]  }
0x3d: {  	_ =	shalt  }
0x3e: {  	_ =	shalt  }
0x3f: {  	_ =	shalt  }
0x40: {  	_ =	shalt  }
0x41: {  	_ =	shalt  }
0x42: {  	_ =	shalt  }
0x43: {  	_ =	shalt  }
0x44: {  	_ =	shalt  }
0x45: {  	_ =	shalt  }
0x46: {  	_ =	shalt  }
0x47: {  	_ =	shalt  }
0x48: {  	_ =	shalt  }
0x49: {  	_ =	shalt  }
0x4a: {  	_ =	shalt  }
0x4b: {  	_ =	shalt  }
0x4c: {  	_ =	shalt  }
0x4d: {  	_ =	shalt  }
0x4e: {  	_ =	shalt  }
0x4f: {  	_ =	shalt  }
0x50: {  	_ =	shalt  }
0x51: {  	_ =	shalt  }
0x52: {  	_ =	shalt  }
0x53: {  	_ =	shalt  }
0x54: {  	_ =	shalt  }
0x55: {  	_ =	shalt  }
0x56: {  	_ =	shalt  }
0x57: {  	_ =	shalt  }
0x58: {  	_ =	shalt  }
0x59: {  	_ =	shalt  }
0x5a: {  	_ =	shalt  }
0x5b: {  	_ =	shalt  }
0x5c: {  	_ =	shalt  }
0x5d: {  	_ =	shalt  }
0x5e: {  	_ =	shalt  }
0x5f: {  	_ =	shalt  }
0x60: {  	_ =	shalt  }
0x61: {  	_ =	shalt  }
0x62: {  	_ =	shalt  }
0x63: {  	_ =	shalt  }
0x64: {  	_ =	shalt  }
0x65: {  	_ =	shalt  }
0x66: {  	_ =	shalt  }
0x67: {  	_ =	shalt  }
0x68: {  	_ =	shalt  }
0x69: {  	_ =	shalt  }
0x6a: {  	_ =	shalt  }
0x6b: {  	_ =	shalt  }
0x6c: {  	_ =	shalt  }
0x6d: {  	_ =	shalt  }
0x6e: {  	_ =	shalt  }
0x6f: {  	_ =	shalt  }
0x70: {  	_ =	shalt  }
0x71: {  	_ =	shalt  }
0x72: {  	_ =	shalt  }
0x73: {  	_ =	shalt  }
0x74: {  	_ =	shalt  }
0x75: {  	_ =	shalt  }
0x76: {  	_ =	shalt  }
0x77: {  	_ =	shalt  }
0x78: {  	_ =	shalt  }
0x79: {  	_ =	shalt  }
0x7a: {  	_ =	shalt  }
0x7b: {  	_ =	shalt  }
0x7c: {  	_ =	shalt  }
0x7d: {  	_ =	shalt  }
0x7e: {  	_ =	shalt  }
0x7f: {  	_ =	shalt  }
0x80: {  	_ =	shalt  }
0x81: {  	_ =	shalt  }
0x82: {  	_ =	shalt  }
0x83: {  	_ =	shalt  }
0x84: {  	_ =	shalt  }
0x85: {  	_ =	shalt  }
0x86: {  	_ =	shalt  }
0x87: {  	_ =	shalt  }
.Lfunc_end0:
.L_simem_size_0:
called_computation.2_lowered:
.L_overlay_start_0:
0x88: {  	s2 =	sld [smem:$0x3FD9]  }
0x89: {  	s3 =	sld [smem:$0x3FFE];
	_ =	sdelay $0x1  }
0x8a: {  	s1 =	srdreg.scid  }
0x8b: {  	s0 =	sand.u32 $0x1, s1  }
0x8c: {  	s17 =	sshll.u32 s0, $0xA;
	s2 =	sadd.s32 s3, s2  }
0x8d: {  	s2 =	sadd.s32 s2, s17  }
0x8e: {  	[smem:$0x3FBC] =	sst s2  }
0x8f: {  	_ = 	snop  }
0x90: {  	s2 =	sld [smem:$0x3FD0];
	(tm) =	ssettm $0x1  }
0x91: {  	s18 =	sld [smem:$0x3FFB];
	_ =	sdelay $0x3  }
0x92: {  	_ =	strace s18  }
0x93: {  	s3 =	sld [smem:$0x3FFC];
	_ =	sdelay $0x3  }
0x94: {  	_ =	strace s3  }
0x95: {  	s3 =	sld [smem:$0x3FFD];
	_ =	sdelay $0x3  }
0x96: {  	_ =	strace s3  }
0x97: {  	_ =	strace $0x8FFFFFFF  }
0x98: {  	s19 =	sld [smem:$0x3FDB];
	_ =	sdelay $0x1  }
0x99: {  	s4 =	simm.s32 $_scs_section_size  }
0x9a: {  	s5 =	simm.s32 $_size__tile_overlayer_lowered;
	s6 =	simm.s32 $_tile_overlayer_lowered  }
0x9b: {  	s22 =	simm.s32 $0x1BFF;
	s21 =	sshll.u32 s6, $0x1;
	s3 =	sadd.s32 s4, s19  }
0x9c: {  	s7 =	simm.s32 $0x0;
	s20 =	sshll.u32 s5, $0x1;
	s5 =	sadd.s32 s21, s3  }
0x9d: {  	[timem:s7], [sflag:s22] =	dma.local [hbm:s5], s20  }
0x9e: {  	_ =	swait.ge [sflag:s22], s20  }
0x9f: {  	s4 =	ssub.s32 $0x0, s20;
	[sflag:s22] =	ssyncset.done $0x0  }
0xa0: {  	[sflag:s22] =	ssyncadd.s32 s4;
	_ =	sdelay $0x1  }
0xa1: {  	s23 =	simm.s32 $0x1B8B  }
0xa2: {  	_ =	swait.ge [sflag:s23], $0x1  }
0xa3: {  	[sflag:s23] =	ssyncset.done $0x0  }
0xa4: {  	s25 =	simm.s32 $0x1B8E;
	s24 =	sld [smem:$0x3FFE];
	[sflag:s23] =	ssyncadd.s32 $0xFFFFFFFF  }
0xa5: {  	s26 =	simm.s32 $execute0_lowered;
	[smem:$0x3FD2] =	sst s25  }
0xa6: {  	s5 =	sshll.u32 s26, $0x1;
	_ =	strace $0x8000004C;
	[dreg:$0x1] =	wrdreg $0xFFFFFFFF  }
0xa7: {  	s28 =	simm.s32 $_size_execute0_lowered;
	s3 =	sadd.s32 s3, s5;
	[dreg:$0x0] =	wrdreg $0x0  }
0xa8: {  	s5 =	sshll.u32 s28, $0x1;
	[dreg:$0x2] =	wrdreg s3  }
0xa9: {  	[dreg:$0x3] =	wrdreg s5  }
0xaa: {  	[dreg:$0x4] =	wrdreg $0xC0  }
0xab: {  	_ =	task [dreg:s7], $0x5FFFF  }
0xac: {  	[dreg:$0x1] =	wrdreg $0xFFFFFFFF  }
0xad: {  	[dreg:$0x0] =	wrdreg $0x60  }
0xae: {  	[dreg:$0x2] =	wrdreg s24  }
0xaf: {  	[dreg:$0x3] =	wrdreg s2  }
0xb0: {  	[dreg:$0x4] =	wrdreg $0x41000  }
0xb1: {  	[dreg:$0x5] =	wrdreg $0x9  }
0xb2: {  	_ =	task.clear_ibuf [dreg:s7], $0x6FFFF;
	_ =	strace $0x9000004C  }
0xb3: {  	s29 =	simm.s32 $0x9;
	_ =	strace $0x8000004E  }
0xb4: {  	_ =	swait.ge [sflag:s29], $0x1  }
0xb5: {  	[sflag:s29] =	ssyncadd.s32 $0xFFFFFFFF  }
0xb6: {  	_ =	strace $0x9000004E  }
0xb7: {  	_ =	sfence  }
0xb8: {  	s30 =	sld [smem:$0x0];
	_ =	sdelay $0x2  }
0xb9: {  	s31 =	sshll.u32 s1, $0xD;
	s1 =	sshrl.u32 s1, $0x2  }
0xba: {  	s3 =	sand.u32 $0x4000, s31;
	s1 =	sadd.s32 s1, s30  }
0xbb: {  	s0 =	sor.u32 s3, s0;
	s1 =	sshll.u32 s1, $0x11  }
0xbc: {  	s0 =	sor.u32 s1, s0  }
0xbd: {  	s0 =	sadd.s32 $0x8F2B, s0  }
0xbe: {  	[sflag:s0] =	ssyncadd.remote.s32 $0x1  }
0xbf: {  	_ =	sfence.sel $0xFFFF  }
0xc0: {  	[dreg:$0x0] =	wrdreg $0xFFFFFFFF;
	(pc) =	sbr.abs _section_cstart, $3  }
0xc1: {  	[dreg:$0x1] =	wrdreg $0xFFFFFFFF  }
0xc2: {  	_ =	task.clear_ibuf [dreg:s7], $0x2FFFF;
	_ =	strace $0x9FFFFFFF  }
0xc3: {  	(tm) =	ssettm $0x7FFFFFFF  }
tec
execute0_lowered:
.L_overlay_start_1:
0x0: {  	(tag) =	ssettag $0x1  }
0x1: {  	s5 =	rddreg [dreg:$0x0]  }
0x2: {  	s13 =	rddreg [dreg:$0x1]  }
0x3: {  	s0 =	srdreg.scid;
	s1 =	stileid.u32  }
0x4: {  	s2 =	rddreg [dreg:$0x2];
	s7 =	smul.u32 $0x2780, s1  }
0x5: {  	s3 =	simm.s32 $0x0;
	s17 =	simm.s32 $0x1;
	s9 =	smul.u32 $0x4F000, s1  }
0x6: {  	s6 =	sand.u32 $0x1, s0;
	s0 =	rddreg [dreg:$0x3];
	s15 =	smul.u32 $0x4F0, s1  }
0x7: {  	s20 =	simm.s32 $0x0;
	[smem:$0x7FF] =	sst s3;
	s14 =	smul.u32 $0x4F00, s6  }
0x8: {  	s4 =	sadd.s32 $0xDE00, s5;
	s18 =	sshll.u32 s1, $0x6;
	s8 =	smul.u32 $0x27800, s6  }
0x9: {  	_ =	strace $0x8000004D;
	s6 =	ssub.s32 $0x2, s6;
	s18 =	sor.u32 $0x1C02, s18  }
0xa: {  	s30 =	sshrl.u32 s6, $0x1;
	s31 =	sshrl.u32 s9, $0x2;
	s11 =	sadd.s32 s14, s5  }
0xb: {  	s7 =	sadd.s32 s7, s8;
	s12 =	ssub.s32 s6, s30;
	s13 =	sadd.s32 s14, s13  }
0xc: {  	s14 =	simm.s32 $0x100;
	s10 =	sadd.s32 s7, s5;
	s5 =	sadd.s32 s31, s2  }
0xd: {  	s16 =	sadd.s32 s15, s11;
	s11 =	smax.u32 s12, $0x1;
	s13 =	sadd.s32 s15, s13  }
0xe: {  	s15 =	simm.s32 $0x2;
	s6 =	sadd.s32 $0x4000, s5;
	s7 =	sadd.s32 $0x8000, s5  }
0xf: {  	s8 =	sadd.s32 $0xC000, s5;
	s9 =	sadd.s32 $0x10000, s5;
	s10 =	sadd.s32 $0x5C200, s10  }
0x10: {  	v0 =	vimm.f32 $0.0e+00;
	s12 =	sadd.s32 $0x4000, s16;
	s16 =	simm.s32 $0x80;
	s19 =	sshrl.u32 s5, $0x3  }
.LBB2_1:
0x11: {  	s21 =	simm.s32 $0x0;
	s22 =	simm.s32 $0x200  }
.LBB2_2:
0x12: {  	p0 =	sne.s32 s22, $0xFE00;
	[tilespmem:s21+$0x170] =	vst v0  }
0x13: {  	[tilespmem:s21+$0x100] =	vst v0  }
0x14: {  	[tilespmem:s21+$0x110] =	vst v0  }
.Ltmp0:
0x15: {  	[tilespmem:s21+$0x120] =	vst v0;
	(pc) =	sbr.rel @p0 .LBB2_2-.Ltmp0, $4  }
0x16: {  	[tilespmem:s21+$0x130] =	vst v0  }
0x17: {  	[tilespmem:s21+$0x140] =	vst v0  }
0x18: {  	[tilespmem:s21+$0x150] =	vst v0  }
0x19: {  	[tilespmem:s21+$0x160] =	vst v0;
	s21 =	sshra.s32 s22, $0x2;
	s22 =	sadd.s32 $0x200, s22  }
0x1a: {  	[tilespmem:s21+$0x170] =	vst v0  }
0x1b: {  	[tilespmem:s21+$0x100] =	vst v0  }
0x1c: {  	[tilespmem:s21+$0x110] =	vst v0  }
0x1d: {  	[tilespmem:s21+$0x120] =	vst v0  }
0x1e: {  	[tilespmem:s21+$0x130] =	vst v0  }
0x1f: {  	[tilespmem:s21+$0x140] =	vst v0  }
0x20: {  	[tilespmem:s21+$0x150] =	vst v0  }
0x21: {  	[tilespmem:s21+$0x160] =	vst v0  }
0x22: {  	[spmem:s5] =	stream.linear.scatter [tilespmem:s14], [sflag:$0x2], $0x4000, $0x38;
	[tilespmem:$0x17D00] =	vst v63  }
0x23: {  	_ =	swait.ge [sflag:s15], $0x4000  }
0x24: {  	[sflag:s15] =	ssyncset.done $0x0  }
0x25: {  	[sflag:s15] =	ssyncadd.s32 $0xFFFFC000  }
0x26: {  	[spmem:s6] =	stream.linear.scatter [tilespmem:s14], [sflag:$0x2], $0x4000, $0x38;
	[tilespmem:$0x17D00] =	vst v63  }
0x27: {  	_ =	swait.ge [sflag:s15], $0x4000  }
0x28: {  	[sflag:s15] =	ssyncset.done $0x0  }
0x29: {  	[sflag:s15] =	ssyncadd.s32 $0xFFFFC000  }
0x2a: {  	[spmem:s7] =	stream.linear.scatter [tilespmem:s14], [sflag:$0x2], $0x4000, $0x38;
	[tilespmem:$0x17D00] =	vst v63  }
0x2b: {  	_ =	swait.ge [sflag:s15], $0x4000  }
0x2c: {  	[sflag:s15] =	ssyncset.done $0x0  }
0x2d: {  	[sflag:s15] =	ssyncadd.s32 $0xFFFFC000  }
0x2e: {  	[spmem:s8] =	stream.linear.scatter [tilespmem:s14], [sflag:$0x2], $0x4000, $0x38;
	[tilespmem:$0x17D00] =	vst v63  }
0x2f: {  	_ =	swait.ge [sflag:s15], $0x4000  }
0x30: {  	[sflag:s15] =	ssyncset.done $0x0  }
0x31: {  	[sflag:s15] =	ssyncadd.s32 $0xFFFFC000  }
0x32: {  	[spmem:s9] =	stream.linear.scatter [tilespmem:s14], [sflag:$0x2], $0x3C00, $0x38;
	[tilespmem:$0x17D00] =	vst v63  }
0x33: {  	_ =	swait.ge [sflag:s15], $0x3C00  }
0x34: {  	[sflag:s15] =	ssyncset.done $0x0  }
0x35: {  	[sflag:s15] =	ssyncadd.s32 $0xFFFFC400  }
0x36: {  	s30 =	sadd.s32 $0x0, s13;
	[bflag:$0x0] =	sbarrier.arrive $0xFFFF  }
0x37: {  	[tilespmem:s3], [sflag:$0x2] =	stream.linear.gather [hbm4b:s30+s3], $0x80, $0x38;
	[tilespmem:$0x17D00] =	vst v63  }
0x38: {  	_ =	swait.ge [sflag:s15], $0x80  }
0x39: {  	[sflag:s15] =	ssyncset.done $0x0  }
0x3a: {  	s31 =	sadd.s32 $0x0, s12;
	[sflag:s15] =	ssyncadd.s32 $0xFFFFFF80  }
0x3b: {  	[tilespmem:s16], [sflag:$0x2] =	stream.linear.gather [hbm4b:s31+s3], $0x80, $0x38;
	[tilespmem:$0x17D00] =	vst v63  }
0x3c: {  	_ =	swait.ge [sflag:s15], $0x80  }
0x3d: {  	[sflag:s15] =	ssyncset.done $0x0  }
0x3e: {  	[sflag:s15] =	ssyncadd.s32 $0xFFFFFF80  }
0x3f: {  	[tilespmem:s14], [sflag:$0x1] =	stream.indirect.gather [hbm4b:s4+s16], $0x80, s3, s16, $0xb8;
	[tilespmem:$0x17D00] =	vst v63  }
0x40: {  	_ =	swait.ge [sflag:s17], $0x4000  }
0x41: {  	[sflag:s17] =	ssyncset.done $0x0  }
0x42: {  	[sflag:s17] =	ssyncadd.s32 $0xFFFFC000  }
0x43: {  	[spmem:s2] =	stream.indirect.scatter.add.f32 [tilespmem:s14], [sflag:$0x2], $0x80, s16, s16, $0xb8;
	[tilespmem:$0x17D00] =	vst v63  }
0x44: {  	_ =	swait.ge [sflag:s15], $0x4000  }
0x45: {  	s21 =	simm.s32 $0x10;
	s22 =	simm.s32 $0x20;
	[sflag:s15] =	ssyncset.done $0x0  }
.LBB2_4:
0x46: {  	s23 =	sadd.s32 s21, s13  }
0x47: {  	[sflag:s15] =	ssyncadd.s32 $0xFFFFC000;
	s24 =	smov.u32 s22;
	s25 =	sadd.s32 $0x10, s22  }
0x48: {  	[tilespmem:s3], [sflag:$0x2] =	stream.linear.gather [hbm4b:s23+s3], $0x80, $0x38;
	[tilespmem:$0x17D00] =	vst v63  }
0x49: {  	p0 =	sne.s32 s22, $0x4E0;
	_ =	swait.ge [sflag:s15], $0x80  }
0x4a: {  	[sflag:s15] =	ssyncset.done $0x0  }
0x4b: {  	s22 =	sadd.s32 s21, s12;
	s21 =	smov.u32 s24;
	[sflag:s15] =	ssyncadd.s32 $0xFFFFFF80  }
0x4c: {  	[tilespmem:s16], [sflag:$0x2] =	stream.linear.gather [hbm4b:s22+s3], $0x80, $0x38;
	[tilespmem:$0x17D00] =	vst v63  }
0x4d: {  	_ =	swait.ge [sflag:s15], $0x80  }
0x4e: {  	[sflag:s15] =	ssyncset.done $0x0  }
0x4f: {  	[sflag:s15] =	ssyncadd.s32 $0xFFFFFF80  }
0x50: {  	[tilespmem:s14], [sflag:$0x1] =	stream.indirect.gather [hbm4b:s4+s16], $0x80, s3, s16, $0xb8;
	[tilespmem:$0x17D00] =	vst v63  }
0x51: {  	_ =	swait.ge [sflag:s17], $0x4000  }
.Ltmp1:
0x52: {  	[sflag:s17] =	ssyncset.done $0x0;
	(pc) =	sbr.rel @p0 .LBB2_4-.Ltmp1, $4  }
0x53: {  	[sflag:s17] =	ssyncadd.s32 $0xFFFFC000  }
0x54: {  	[spmem:s2] =	stream.indirect.scatter.add.f32 [tilespmem:s14], [sflag:$0x2], $0x80, s16, s16, $0xb8;
	[tilespmem:$0x17D00] =	vst v63  }
0x55: {  	_ =	swait.ge [sflag:s15], $0x4000  }
0x56: {  	s22 =	smov.u32 s25;
	[sflag:s15] =	ssyncset.done $0x0  }
0x57: {  	s22 =	sadd.s32 s21, s13;
	[sflag:s15] =	ssyncadd.s32 $0xFFFFC000  }
0x58: {  	[tilespmem:s3], [sflag:$0x2] =	stream.linear.gather [hbm4b:s22+s3], $0x80, $0x38;
	[tilespmem:$0x17D00] =	vst v63  }
0x59: {  	_ =	swait.ge [sflag:s15], $0x80  }
0x5a: {  	[sflag:s15] =	ssyncset.done $0x0  }
0x5b: {  	s31 =	sadd.s32 s21, s12;
	[sflag:s15] =	ssyncadd.s32 $0xFFFFFF80  }
0x5c: {  	[tilespmem:s16], [sflag:$0x2] =	stream.linear.gather [hbm4b:s31+s3], $0x80, $0x38;
	[tilespmem:$0x17D00] =	vst v63  }
0x5d: {  	_ =	swait.ge [sflag:s15], $0x80  }
0x5e: {  	[sflag:s15] =	ssyncset.done $0x0  }
0x5f: {  	[sflag:s15] =	ssyncadd.s32 $0xFFFFFF80  }
0x60: {  	[tilespmem:s14], [sflag:$0x1] =	stream.indirect.gather [hbm4b:s4+s16], $0x80, s3, s16, $0xb8;
	[tilespmem:$0x17D00] =	vst v63  }
0x61: {  	_ =	swait.ge [sflag:s17], $0x4000  }
0x62: {  	[sflag:s17] =	ssyncset.done $0x0  }
0x63: {  	[sflag:s17] =	ssyncadd.s32 $0xFFFFC000  }
0x64: {  	[spmem:s2] =	stream.indirect.scatter.add.f32 [tilespmem:s14], [sflag:$0x2], $0x80, s16, s16, $0xb8;
	[tilespmem:$0x17D00] =	vst v63  }
0x65: {  	_ =	swait.ge [sflag:s15], $0x4000  }
0x66: {  	s20 =	sadd.s32 $0x1, s20;
	[sflag:s15] =	ssyncset.done $0x0  }
0x67: {  	p0 =	sne.s32 s20, s11;
	[sflag:s15] =	ssyncadd.s32 $0xFFFFC000  }
.Ltmp2:
0x68: {  	[bflag:$0x0] =	sbarrier.arrive $0xFFFF;
	(pc) =	sbr.rel @p0 .LBB2_1-.Ltmp2, $4  }
0x69: {  	[hbm:s10], [sflag:s18] =	dma.local [spmem:s19], $0x2780  }
0x6a: {  	_ =	swait.ge [sflag:s15], $0x2780  }
0x6b: {  	[sflag:s15] =	ssyncset.done $0x0  }
0x6c: {  	[sflag:s15] =	ssyncadd.s32 $0xFFFFD880  }
0x6d: {  	_ =	sfence.sel $0x180000  }
0x6e: {  	[bflag:$0x0] =	sbarrier.arrive $0xFFFF  }
0x6f: {  	p0 =	sne.s32 s1, $0x0;
	_ =	strace $0x9000004D  }
0x70: {  	s0 =	sadd.s32 @!p0 $0x100000, s0;
	[bflag:$0x2] =	sbarrier.arrive $0xFFFF  }
0x71: {  	[sflag:s0] =	ssyncadd.tile.s32 @!p0 $0x1;
	_ =	shalt  }
.Lfunc_end2:
_tile_overlayer_lowered:
.L_overlay_start_2:
0x72: {  	(tag) =	ssettag $0x2  }
0x73: {  	s0 =	rddreg [dreg:$0x0];
	s2 =	stileid.u32  }
0x74: {  	s1 =	rddreg [dreg:$0x1];
	p0 =	sne.s32 s2, $0x0  }
0x75: {  	s3 =	rddreg [dreg:$0x2];
	[bflag:$0x3] =	sbarrier.arrive $0xFFFF;
	s2 =	simm.s32 @!p0 $0x1C02  }
0x76: {  	[timem:s3], [sflag:s2] =	dma.local @!p0 [hbm:s0], s1  }
0x77: {  	s0 =	simm.s32 @!p0 $0x2  }
0x78: {  	_ =	swait.ge @!p0 [sflag:s0], s1  }
0x79: {  	s1 =	ssub.s32 @!p0 $0x0, s1;
	[sflag:s0] =	ssyncset.done @!p0 $0x0  }
0x7a: {  	[sflag:s0] =	ssyncadd.s32 @!p0 s1  }
0x7b: {  	[bflag:$0x3] =	sbarrier.arrive $0xFFFF  }
0x7c: {  	_ =	shalt  }

</sc_bundles>
